<compile_context>
chip_gen: v7x
topology: tpu7x:2x2x1
jax: 0.10.2.dev20260603
libtpu: 0.0.44.dev20260713+nightly
codegen_flags: <defaults>
</compile_context>

<pallas_src>
import functools

import jax
import jax.numpy as jnp
from jax import lax
from jax.experimental import pallas as pl
from jax.experimental.pallas import tpu as pltpu
from jax.experimental.pallas import tpu_sc as plsc

_TABLE = 1000000
_D = 32
_BATCH = 16384
_HIST = 50


_BL = 32768


def _mean_body(x_ref, o_ref):
    o_ref[...] = jnp.sum(x_ref[...], axis=0) * (1.0 / _D)


def _row_means(emb_t):
    return pl.pallas_call(
        _mean_body,
        grid=((_TABLE + _BL - 1) // _BL,),
        in_specs=[pl.BlockSpec((_D, _BL), lambda i: (0, i))],
        out_specs=pl.BlockSpec((_BL,), lambda i: (i,)),
        out_shape=jax.ShapeDtypeStruct((_TABLE,), jnp.float32),
    )(emb_t)



_NC, _NS = 2, 16
_NW = _NC * _NS
_B_TOTAL = _BATCH * _HIST
_CHUNK = 128
_N_CHUNKS = _B_TOTAL // (_NW * _CHUNK)
_FIRE = 20


def _gather_body(means_hbm, idx_hbm, out_hbm, idx_v, vals_v, sem):
    wid = lax.axis_index("s") * _NC + lax.axis_index("c")
    pltpu.sync_copy(idx_hbm.at[wid], idx_v)

    def outer(o, _):
        for b in range(_FIRE):
            j = o * _FIRE + b
            pltpu.async_copy(means_hbm.at[idx_v.at[j]], vals_v.at[j], sem)
        for b in range(_FIRE):
            j = o * _FIRE + b
            pltpu.make_async_copy(
                means_hbm.at[idx_v.at[j]], vals_v.at[j], sem).wait()
        return _

    lax.fori_loop(0, _N_CHUNKS // _FIRE, outer, None)
    pltpu.sync_copy(vals_v, out_hbm.at[wid])


def _sc_gather(means, idx3):
    mesh = plsc.VectorSubcoreMesh(core_axis_name="c", subcore_axis_name="s")
    f = pl.kernel(
        _gather_body,
        out_type=jax.ShapeDtypeStruct((_NW, _N_CHUNKS, _CHUNK), jnp.float32),
        mesh=mesh,
        scratch_types=[
            pltpu.VMEM((_N_CHUNKS, _CHUNK), jnp.int32),
            pltpu.VMEM((_N_CHUNKS, _CHUNK), jnp.float32),
            pltpu.SemaphoreType.DMA,
        ],
    )
    return f(means, idx3)


def kernel(inputs, embedding):
    means = _row_means(embedding.T)
    idx3 = inputs.reshape(_NW, _N_CHUNKS, _CHUNK)
    out = _sc_gather(means, idx3)
    return out.reshape(_BATCH, _HIST)

# --- scband reference (transcript-rebuilt; emitter-appended) ---
"""Pipeline reference for scband-video-embedder-36893769073155 (READ-ONLY COPY).

The authoritative reference and input builder live on the scoring server;
editing this copy changes nothing except your own understanding.
"""

import jax, jax.numpy as jnp
import numpy as np

DATA_SET_SIZE = 1000000
EMBEDDING_DIM = 32
BATCH = 16384
HIST_LEN = 50

def setup_inputs(seed: int = 0) -> dict:
    key = jax.random.key(seed)
    k_idx, k_emb = jax.random.split(key)
    inputs = jax.random.randint(k_idx, (BATCH, HIST_LEN), 0, DATA_SET_SIZE, dtype=jnp.int64 if jax.config.jax_enable_x64 else jnp.int32)
    # VarianceScaling default: scale=1.0, fan_in mode, truncated normal ~ stddev sqrt(1/fan_in)
    stddev = (1.0 / DATA_SET_SIZE) ** 0.5
    embedding = jax.random.truncated_normal(k_emb, -2.0, 2.0, (DATA_SET_SIZE, EMBEDDING_DIM), dtype=jnp.float32) * stddev
    return {"inputs": inputs, "embedding": embedding}

def reference(inputs, embedding):
    # tf.map_fn over rows of inputs doing embedding_lookup == plain gather
    embedded_group = jnp.take(embedding, inputs, axis=0)  # [B, L, D]
    # tf.reduce_mean over last axis (the embedding dim)
    return jnp.mean(embedded_group, axis=-1)  # [B, L]

if __name__ == "__main__":
    import jax
    _d = setup_inputs()
    print(jax.jit(kernel)(*tuple(_d.values())))

</pallas_src>

<mosaic_0001>
#map = affine_map<(d0, d1) -> (0)>
#map1 = affine_map<(d0, d1) -> (0, 0, 0)>
module attributes {stable_mosaic.version = 14 : i64} {
  func.func @_gather_body(%arg0: i32, %arg1: i32, %arg2: memref<1000000xf32, #tpu.memory_space<hbm>>, %arg3: memref<32x200x128xi32, #tpu.memory_space<hbm>>, %arg4: memref<32x200x128xf32, #tpu.memory_space<hbm>>, %arg5: memref<200x128xi32, #tpu.memory_space<vmem>>, %arg6: memref<200x128xf32, #tpu.memory_space<vmem>>, %arg7: memref<!tpu.dma_semaphore, #tpu.memory_space<semaphore_mem>>) attributes {dimension_semantics = [#tpu.dimension_semantics<core_parallel>, #tpu.dimension_semantics<subcore_parallel>], iteration_bounds = array<i64: 2, 16>, scalar_prefetch = 0 : i64, scratch_operands = 3 : i64, tpu.core_type = #tpu.core_type<sc_vector_subcore>, window_params = [{transform_indices = #map}, {transform_indices = #map1}, {transform_indices = #map1}]} {
    %mul3A = arith.constant 2 : i32
    %mul3A_0 = arith.muli %arg1, %mul3A : i32
    %add3A = arith.addi %mul3A_0, %arg0 : i32
    "tpu.region"() ({
      %run_scoped3A = tpu.sem_alloc : memref<!tpu.dma_semaphore, #tpu.memory_space<semaphore_mem>>
      %dma_start3A = arith.constant 0 : i32
      %dma_start3A_5 = arith.constant 0 : i32
      %dma_start3A_6 = tpu.memref_slice %arg3[%add3A, %dma_start3A, %dma_start3A_5] : memref<32x200x128xi32, #tpu.memory_space<hbm>> -> memref<1x200x128xi32, #tpu.memory_space<hbm>>
      %dma_start3A_7 = tpu.memref_squeeze %dma_start3A_6 : memref<1x200x128xi32, #tpu.memory_space<hbm>> -> memref<200x128xi32, #tpu.memory_space<hbm>>
      %dma_start3A_8 = arith.constant 0 : i32
      %dma_start3A_9 = arith.constant 0 : i32
      %dma_start3A_10 = tpu.memref_slice %arg3[%add3A, %dma_start3A_8, %dma_start3A_9] : memref<32x200x128xi32, #tpu.memory_space<hbm>> -> memref<1x200x128xi32, #tpu.memory_space<hbm>>
      %dma_start3A_11 = tpu.memref_squeeze %dma_start3A_10 : memref<1x200x128xi32, #tpu.memory_space<hbm>> -> memref<200x128xi32, #tpu.memory_space<hbm>>
      tpu.enqueue_dma source(%dma_start3A_11 : memref<200x128xi32, #tpu.memory_space<hbm>>) target(%arg5 : memref<200x128xi32, #tpu.memory_space<vmem>>) target_semaphore(%run_scoped3A : memref<!tpu.dma_semaphore, #tpu.memory_space<semaphore_mem>>)
      %dma_wait3A = arith.constant 0 : i32
      %dma_wait3A_12 = arith.constant 0 : i32
      %dma_wait3A_13 = tpu.memref_slice %arg3[%add3A, %dma_wait3A, %dma_wait3A_12] : memref<32x200x128xi32, #tpu.memory_space<hbm>> -> memref<1x200x128xi32, #tpu.memory_space<hbm>>
      %dma_wait3A_14 = tpu.memref_squeeze %dma_wait3A_13 : memref<1x200x128xi32, #tpu.memory_space<hbm>> -> memref<200x128xi32, #tpu.memory_space<hbm>>
      %dma_wait3A_15 = arith.constant 0 : i32
      %dma_wait3A_16 = arith.constant 0 : i32
      %dma_wait3A_17 = tpu.memref_slice %arg3[%add3A, %dma_wait3A_15, %dma_wait3A_16] : memref<32x200x128xi32, #tpu.memory_space<hbm>> -> memref<1x200x128xi32, #tpu.memory_space<hbm>>
      %dma_wait3A_18 = tpu.memref_squeeze %dma_wait3A_17 : memref<1x200x128xi32, #tpu.memory_space<hbm>> -> memref<200x128xi32, #tpu.memory_space<hbm>>
      tpu.wait_dma2 semaphore(%run_scoped3A : memref<!tpu.dma_semaphore, #tpu.memory_space<semaphore_mem>>) src(%dma_wait3A_18 : memref<200x128xi32, #tpu.memory_space<hbm>>) dst(%arg5 : memref<200x128xi32, #tpu.memory_space<vmem>>)
      tpu.yield
    }) : () -> ()
    %scan3A = arith.constant 0 : i32
    %scan3A_1 = arith.constant 10 : i32
    %scan3A_2 = arith.addi %scan3A, %scan3A_1 : i32
    %scan3A_3 = arith.constant 1 : i32
    scf.for %scan3A_5 = %scan3A to %scan3A_2 step %scan3A_3  : i32 {
      %mul3A_6 = arith.constant 20 : i32
      %mul3A_7 = arith.muli %scan3A_5, %mul3A_6 : i32
      %add3A_8 = arith.constant 0 : i32
      %add3A_9 = arith.addi %mul3A_7, %add3A_8 : i32
      %dma_start3A = arith.constant 0 : i32
      %dma_start3A_10 = tpu.memref_slice %arg6[%add3A_9, %dma_start3A] : memref<200x128xf32, #tpu.memory_space<vmem>> -> memref<1x128xf32, #tpu.memory_space<vmem>>
      %dma_start3A_11 = tpu.memref_squeeze %dma_start3A_10 : memref<1x128xf32, #tpu.memory_space<vmem>> -> memref<128xf32, #tpu.memory_space<vmem>>
      %dma_start3A_12 = arith.constant 0 : i32
      %dma_start3A_13 = tpu.memref_slice %arg5[%add3A_9, %dma_start3A_12] : memref<200x128xi32, #tpu.memory_space<vmem>> -> memref<1x128xi32, #tpu.memory_space<vmem>>
      %dma_start3A_14 = tpu.memref_squeeze %dma_start3A_13 : memref<1x128xi32, #tpu.memory_space<vmem>> -> memref<128xi32, #tpu.memory_space<vmem>>
      %dma_start3A_15 = arith.constant 0 : i32
      %dma_start3A_16 = tpu.memref_slice %arg2[%dma_start3A_15] : memref<1000000xf32, #tpu.memory_space<hbm>> -> memref<1000000xf32, #tpu.memory_space<hbm>>
      tpu.enqueue_indirect_dma source(%dma_start3A_16 : memref<1000000xf32, #tpu.memory_space<hbm>>) target(%dma_start3A_11 : memref<128xf32, #tpu.memory_space<vmem>>) offsets(%dma_start3A_14 : memref<128xi32, #tpu.memory_space<vmem>>) semaphore(%arg7 : memref<!tpu.dma_semaphore, #tpu.memory_space<semaphore_mem>>)
      %mul3A_17 = arith.constant 20 : i32
      %mul3A_18 = arith.muli %scan3A_5, %mul3A_17 : i32
      %add3A_19 = arith.constant 1 : i32
      %add3A_20 = arith.addi %mul3A_18, %add3A_19 : i32
      %dma_start3A_21 = arith.constant 0 : i32
      %dma_start3A_22 = tpu.memref_slice %arg6[%add3A_20, %dma_start3A_21] : memref<200x128xf32, #tpu.memory_space<vmem>> -> memref<1x128xf32, #tpu.memory_space<vmem>>
      %dma_start3A_23 = tpu.memref_squeeze %dma_start3A_22 : memref<1x128xf32, #tpu.memory_space<vmem>> -> memref<128xf32, #tpu.memory_space<vmem>>
      %dma_start3A_24 = arith.constant 0 : i32
      %dma_start3A_25 = tpu.memref_slice %arg5[%add3A_20, %dma_start3A_24] : memref<200x128xi32, #tpu.memory_space<vmem>> -> memref<1x128xi32, #tpu.memory_space<vmem>>
      %dma_start3A_26 = tpu.memref_squeeze %dma_start3A_25 : memref<1x128xi32, #tpu.memory_space<vmem>> -> memref<128xi32, #tpu.memory_space<vmem>>
      %dma_start3A_27 = arith.constant 0 : i32
      %dma_start3A_28 = tpu.memref_slice %arg2[%dma_start3A_27] : memref<1000000xf32, #tpu.memory_space<hbm>> -> memref<1000000xf32, #tpu.memory_space<hbm>>
      tpu.enqueue_indirect_dma source(%dma_start3A_28 : memref<1000000xf32, #tpu.memory_space<hbm>>) target(%dma_start3A_23 : memref<128xf32, #tpu.memory_space<vmem>>) offsets(%dma_start3A_26 : memref<128xi32, #tpu.memory_space<vmem>>) semaphore(%arg7 : memref<!tpu.dma_semaphore, #tpu.memory_space<semaphore_mem>>)
      %mul3A_29 = arith.constant 20 : i32
      %mul3A_30 = arith.muli %scan3A_5, %mul3A_29 : i32
      %add3A_31 = arith.constant 2 : i32
      %add3A_32 = arith.addi %mul3A_30, %add3A_31 : i32
      %dma_start3A_33 = arith.constant 0 : i32
      %dma_start3A_34 = tpu.memref_slice %arg6[%add3A_32, %dma_start3A_33] : memref<200x128xf32, #tpu.memory_space<vmem>> -> memref<1x128xf32, #tpu.memory_space<vmem>>
      %dma_start3A_35 = tpu.memref_squeeze %dma_start3A_34 : memref<1x128xf32, #tpu.memory_space<vmem>> -> memref<128xf32, #tpu.memory_space<vmem>>
      %dma_start3A_36 = arith.constant 0 : i32
      %dma_start3A_37 = tpu.memref_slice %arg5[%add3A_32, %dma_start3A_36] : memref<200x128xi32, #tpu.memory_space<vmem>> -> memref<1x128xi32, #tpu.memory_space<vmem>>
      %dma_start3A_38 = tpu.memref_squeeze %dma_start3A_37 : memref<1x128xi32, #tpu.memory_space<vmem>> -> memref<128xi32, #tpu.memory_space<vmem>>
      %dma_start3A_39 = arith.constant 0 : i32
      %dma_start3A_40 = tpu.memref_slice %arg2[%dma_start3A_39] : memref<1000000xf32, #tpu.memory_space<hbm>> -> memref<1000000xf32, #tpu.memory_space<hbm>>
      tpu.enqueue_indirect_dma source(%dma_start3A_40 : memref<1000000xf32, #tpu.memory_space<hbm>>) target(%dma_start3A_35 : memref<128xf32, #tpu.memory_space<vmem>>) offsets(%dma_start3A_38 : memref<128xi32, #tpu.memory_space<vmem>>) semaphore(%arg7 : memref<!tpu.dma_semaphore, #tpu.memory_space<semaphore_mem>>)
      %mul3A_41 = arith.constant 20 : i32
      %mul3A_42 = arith.muli %scan3A_5, %mul3A_41 : i32
      %add3A_43 = arith.constant 3 : i32
      %add3A_44 = arith.addi %mul3A_42, %add3A_43 : i32
      %dma_start3A_45 = arith.constant 0 : i32
      %dma_start3A_46 = tpu.memref_slice %arg6[%add3A_44, %dma_start3A_45] : memref<200x128xf32, #tpu.memory_space<vmem>> -> memref<1x128xf32, #tpu.memory_space<vmem>>
      %dma_start3A_47 = tpu.memref_squeeze %dma_start3A_46 : memref<1x128xf32, #tpu.memory_space<vmem>> -> memref<128xf32, #tpu.memory_space<vmem>>
      %dma_start3A_48 = arith.constant 0 : i32
      %dma_start3A_49 = tpu.memref_slice %arg5[%add3A_44, %dma_start3A_48] : memref<200x128xi32, #tpu.memory_space<vmem>> -> memref<1x128xi32, #tpu.memory_space<vmem>>
      %dma_start3A_50 = tpu.memref_squeeze %dma_start3A_49 : memref<1x128xi32, #tpu.memory_space<vmem>> -> memref<128xi32, #tpu.memory_space<vmem>>
      %dma_start3A_51 = arith.constant 0 : i32
      %dma_start3A_52 = tpu.memref_slice %arg2[%dma_start3A_51] : memref<1000000xf32, #tpu.memory_space<hbm>> -> memref<1000000xf32, #tpu.memory_space<hbm>>
      tpu.enqueue_indirect_dma source(%dma_start3A_52 : memref<1000000xf32, #tpu.memory_space<hbm>>) target(%dma_start3A_47 : memref<128xf32, #tpu.memory_space<vmem>>) offsets(%dma_start3A_50 : memref<128xi32, #tpu.memory_space<vmem>>) semaphore(%arg7 : memref<!tpu.dma_semaphore, #tpu.memory_space<semaphore_mem>>)
      %mul3A_53 = arith.constant 20 : i32
      %mul3A_54 = arith.muli %scan3A_5, %mul3A_53 : i32
      %add3A_55 = arith.constant 4 : i32
      %add3A_56 = arith.addi %mul3A_54, %add3A_55 : i32
      %dma_start3A_57 = arith.constant 0 : i32
      %dma_start3A_58 = tpu.memref_slice %arg6[%add3A_56, %dma_start3A_57] : memref<200x128xf32, #tpu.memory_space<vmem>> -> memref<1x128xf32, #tpu.memory_space<vmem>>
      %dma_start3A_59 = tpu.memref_squeeze %dma_start3A_58 : memref<1x128xf32, #tpu.memory_space<vmem>> -> memref<128xf32, #tpu.memory_space<vmem>>
      %dma_start3A_60 = arith.constant 0 : i32
      %dma_start3A_61 = tpu.memref_slice %arg5[%add3A_56, %dma_start3A_60] : memref<200x128xi32, #tpu.memory_space<vmem>> -> memref<1x128xi32, #tpu.memory_space<vmem>>
      %dma_start3A_62 = tpu.memref_squeeze %dma_start3A_61 : memref<1x128xi32, #tpu.memory_space<vmem>> -> memref<128xi32, #tpu.memory_space<vmem>>
      %dma_start3A_63 = arith.constant 0 : i32
      %dma_start3A_64 = tpu.memref_slice %arg2[%dma_start3A_63] : memref<1000000xf32, #tpu.memory_space<hbm>> -> memref<1000000xf32, #tpu.memory_space<hbm>>
      tpu.enqueue_indirect_dma source(%dma_start3A_64 : memref<1000000xf32, #tpu.memory_space<hbm>>) target(%dma_start3A_59 : memref<128xf32, #tpu.memory_space<vmem>>) offsets(%dma_start3A_62 : memref<128xi32, #tpu.memory_space<vmem>>) semaphore(%arg7 : memref<!tpu.dma_semaphore, #tpu.memory_space<semaphore_mem>>)
      %mul3A_65 = arith.constant 20 : i32
      %mul3A_66 = arith.muli %scan3A_5, %mul3A_65 : i32
      %add3A_67 = arith.constant 5 : i32
      %add3A_68 = arith.addi %mul3A_66, %add3A_67 : i32
      %dma_start3A_69 = arith.constant 0 : i32
      %dma_start3A_70 = tpu.memref_slice %arg6[%add3A_68, %dma_start3A_69] : memref<200x128xf32, #tpu.memory_space<vmem>> -> memref<1x128xf32, #tpu.memory_space<vmem>>
      %dma_start3A_71 = tpu.memref_squeeze %dma_start3A_70 : memref<1x128xf32, #tpu.memory_space<vmem>> -> memref<128xf32, #tpu.memory_space<vmem>>
      %dma_start3A_72 = arith.constant 0 : i32
      %dma_start3A_73 = tpu.memref_slice %arg5[%add3A_68, %dma_start3A_72] : memref<200x128xi32, #tpu.memory_space<vmem>> -> memref<1x128xi32, #tpu.memory_space<vmem>>
      %dma_start3A_74 = tpu.memref_squeeze %dma_start3A_73 : memref<1x128xi32, #tpu.memory_space<vmem>> -> memref<128xi32, #tpu.memory_space<vmem>>
      %dma_start3A_75 = arith.constant 0 : i32
      %dma_start3A_76 = tpu.memref_slice %arg2[%dma_start3A_75] : memref<1000000xf32, #tpu.memory_space<hbm>> -> memref<1000000xf32, #tpu.memory_space<hbm>>
      tpu.enqueue_indirect_dma source(%dma_start3A_76 : memref<1000000xf32, #tpu.memory_space<hbm>>) target(%dma_start3A_71 : memref<128xf32, #tpu.memory_space<vmem>>) offsets(%dma_start3A_74 : memref<128xi32, #tpu.memory_space<vmem>>) semaphore(%arg7 : memref<!tpu.dma_semaphore, #tpu.memory_space<semaphore_mem>>)
      %mul3A_77 = arith.constant 20 : i32
      %mul3A_78 = arith.muli %scan3A_5, %mul3A_77 : i32
      %add3A_79 = arith.constant 6 : i32
      %add3A_80 = arith.addi %mul3A_78, %add3A_79 : i32
      %dma_start3A_81 = arith.constant 0 : i32
      %dma_start3A_82 = tpu.memref_slice %arg6[%add3A_80, %dma_start3A_81] : memref<200x128xf32, #tpu.memory_space<vmem>> -> memref<1x128xf32, #tpu.memory_space<vmem>>
      %dma_start3A_83 = tpu.memref_squeeze %dma_start3A_82 : memref<1x128xf32, #tpu.memory_space<vmem>> -> memref<128xf32, #tpu.memory_space<vmem>>
      %dma_start3A_84 = arith.constant 0 : i32
      %dma_start3A_85 = tpu.memref_slice %arg5[%add3A_80, %dma_start3A_84] : memref<200x128xi32, #tpu.memory_space<vmem>> -> memref<1x128xi32, #tpu.memory_space<vmem>>
      %dma_start3A_86 = tpu.memref_squeeze %dma_start3A_85 : memref<1x128xi32, #tpu.memory_space<vmem>> -> memref<128xi32, #tpu.memory_space<vmem>>
      %dma_start3A_87 = arith.constant 0 : i32
      %dma_start3A_88 = tpu.memref_slice %arg2[%dma_start3A_87] : memref<1000000xf32, #tpu.memory_space<hbm>> -> memref<1000000xf32, #tpu.memory_space<hbm>>
      tpu.enqueue_indirect_dma source(%dma_start3A_88 : memref<1000000xf32, #tpu.memory_space<hbm>>) target(%dma_start3A_83 : memref<128xf32, #tpu.memory_space<vmem>>) offsets(%dma_start3A_86 : memref<128xi32, #tpu.memory_space<vmem>>) semaphore(%arg7 : memref<!tpu.dma_semaphore, #tpu.memory_space<semaphore_mem>>)
      %mul3A_89 = arith.constant 20 : i32
      %mul3A_90 = arith.muli %scan3A_5, %mul3A_89 : i32
      %add3A_91 = arith.constant 7 : i32
      %add3A_92 = arith.addi %mul3A_90, %add3A_91 : i32
      %dma_start3A_93 = arith.constant 0 : i32
      %dma_start3A_94 = tpu.memref_slice %arg6[%add3A_92, %dma_start3A_93] : memref<200x128xf32, #tpu.memory_space<vmem>> -> memref<1x128xf32, #tpu.memory_space<vmem>>
      %dma_start3A_95 = tpu.memref_squeeze %dma_start3A_94 : memref<1x128xf32, #tpu.memory_space<vmem>> -> memref<128xf32, #tpu.memory_space<vmem>>
      %dma_start3A_96 = arith.constant 0 : i32
      %dma_start3A_97 = tpu.memref_slice %arg5[%add3A_92, %dma_start3A_96] : memref<200x128xi32, #tpu.memory_space<vmem>> -> memref<1x128xi32, #tpu.memory_space<vmem>>
      %dma_start3A_98 = tpu.memref_squeeze %dma_start3A_97 : memref<1x128xi32, #tpu.memory_space<vmem>> -> memref<128xi32, #tpu.memory_space<vmem>>
      %dma_start3A_99 = arith.constant 0 : i32
      %dma_start3A_100 = tpu.memref_slice %arg2[%dma_start3A_99] : memref<1000000xf32, #tpu.memory_space<hbm>> -> memref<1000000xf32, #tpu.memory_space<hbm>>
      tpu.enqueue_indirect_dma source(%dma_start3A_100 : memref<1000000xf32, #tpu.memory_space<hbm>>) target(%dma_start3A_95 : memref<128xf32, #tpu.memory_space<vmem>>) offsets(%dma_start3A_98 : memref<128xi32, #tpu.memory_space<vmem>>) semaphore(%arg7 : memref<!tpu.dma_semaphore, #tpu.memory_space<semaphore_mem>>)
      %mul3A_101 = arith.constant 20 : i32
      %mul3A_102 = arith.muli %scan3A_5, %mul3A_101 : i32
      %add3A_103 = arith.constant 8 : i32
      %add3A_104 = arith.addi %mul3A_102, %add3A_103 : i32
      %dma_start3A_105 = arith.constant 0 : i32
      %dma_start3A_106 = tpu.memref_slice %arg6[%add3A_104, %dma_start3A_105] : memref<200x128xf32, #tpu.memory_space<vmem>> -> memref<1x128xf32, #tpu.memory_space<vmem>>
      %dma_start3A_107 = tpu.memref_squeeze %dma_start3A_106 : memref<1x128xf32, #tpu.memory_space<vmem>> -> memref<128xf32, #tpu.memory_space<vmem>>
      %dma_start3A_108 = arith.constant 0 : i32
      %dma_start3A_109 = tpu.memref_slice %arg5[%add3A_104, %dma_start3A_108] : memref<200x128xi32, #tpu.memory_space<vmem>> -> memref<1x128xi32, #tpu.memory_space<vmem>>
      %dma_start3A_110 = tpu.memref_squeeze %dma_start3A_109 : memref<1x128xi32, #tpu.memory_space<vmem>> -> memref<128xi32, #tpu.memory_space<vmem>>
      %dma_start3A_111 = arith.constant 0 : i32
      %dma_start3A_112 = tpu.memref_slice %arg2[%dma_start3A_111] : memref<1000000xf32, #tpu.memory_space<hbm>> -> memref<1000000xf32, #tpu.memory_space<hbm>>
      tpu.enqueue_indirect_dma source(%dma_start3A_112 : memref<1000000xf32, #tpu.memory_space<hbm>>) target(%dma_start3A_107 : memref<128xf32, #tpu.memory_space<vmem>>) offsets(%dma_start3A_110 : memref<128xi32, #tpu.memory_space<vmem>>) semaphore(%arg7 : memref<!tpu.dma_semaphore, #tpu.memory_space<semaphore_mem>>)
      %mul3A_113 = arith.constant 20 : i32
      %mul3A_114 = arith.muli %scan3A_5, %mul3A_113 : i32
      %add3A_115 = arith.constant 9 : i32
      %add3A_116 = arith.addi %mul3A_114, %add3A_115 : i32
      %dma_start3A_117 = arith.constant 0 : i32
      %dma_start3A_118 = tpu.memref_slice %arg6[%add3A_116, %dma_start3A_117] : memref<200x128xf32, #tpu.memory_space<vmem>> -> memref<1x128xf32, #tpu.memory_space<vmem>>
      %dma_start3A_119 = tpu.memref_squeeze %dma_start3A_118 : memref<1x128xf32, #tpu.memory_space<vmem>> -> memref<128xf32, #tpu.memory_space<vmem>>
      %dma_start3A_120 = arith.constant 0 : i32
      %dma_start3A_121 = tpu.memref_slice %arg5[%add3A_116, %dma_start3A_120] : memref<200x128xi32, #tpu.memory_space<vmem>> -> memref<1x128xi32, #tpu.memory_space<vmem>>
      %dma_start3A_122 = tpu.memref_squeeze %dma_start3A_121 : memref<1x128xi32, #tpu.memory_space<vmem>> -> memref<128xi32, #tpu.memory_space<vmem>>
      %dma_start3A_123 = arith.constant 0 : i32
      %dma_start3A_124 = tpu.memref_slice %arg2[%dma_start3A_123] : memref<1000000xf32, #tpu.memory_space<hbm>> -> memref<1000000xf32, #tpu.memory_space<hbm>>
      tpu.enqueue_indirect_dma source(%dma_start3A_124 : memref<1000000xf32, #tpu.memory_space<hbm>>) target(%dma_start3A_119 : memref<128xf32, #tpu.memory_space<vmem>>) offsets(%dma_start3A_122 : memref<128xi32, #tpu.memory_space<vmem>>) semaphore(%arg7 : memref<!tpu.dma_semaphore, #tpu.memory_space<semaphore_mem>>)
      %mul3A_125 = arith.constant 20 : i32
      %mul3A_126 = arith.muli %scan3A_5, %mul3A_125 : i32
      %add3A_127 = arith.constant 10 : i32
      %add3A_128 = arith.addi %mul3A_126, %add3A_127 : i32
      %dma_start3A_129 = arith.constant 0 : i32
      %dma_start3A_130 = tpu.memref_slice %arg6[%add3A_128, %dma_start3A_129] : memref<200x128xf32, #tpu.memory_space<vmem>> -> memref<1x128xf32, #tpu.memory_space<vmem>>
      %dma_start3A_131 = tpu.memref_squeeze %dma_start3A_130 : memref<1x128xf32, #tpu.memory_space<vmem>> -> memref<128xf32, #tpu.memory_space<vmem>>
      %dma_start3A_132 = arith.constant 0 : i32
      %dma_start3A_133 = tpu.memref_slice %arg5[%add3A_128, %dma_start3A_132] : memref<200x128xi32, #tpu.memory_space<vmem>> -> memref<1x128xi32, #tpu.memory_space<vmem>>
      %dma_start3A_134 = tpu.memref_squeeze %dma_start3A_133 : memref<1x128xi32, #tpu.memory_space<vmem>> -> memref<128xi32, #tpu.memory_space<vmem>>
      %dma_start3A_135 = arith.constant 0 : i32
      %dma_start3A_136 = tpu.memref_slice %arg2[%dma_start3A_135] : memref<1000000xf32, #tpu.memory_space<hbm>> -> memref<1000000xf32, #tpu.memory_space<hbm>>
      tpu.enqueue_indirect_dma source(%dma_start3A_136 : memref<1000000xf32, #tpu.memory_space<hbm>>) target(%dma_start3A_131 : memref<128xf32, #tpu.memory_space<vmem>>) offsets(%dma_start3A_134 : memref<128xi32, #tpu.memory_space<vmem>>) semaphore(%arg7 : memref<!tpu.dma_semaphore, #tpu.memory_space<semaphore_mem>>)
      %mul3A_137 = arith.constant 20 : i32
      %mul3A_138 = arith.muli %scan3A_5, %mul3A_137 : i32
      %add3A_139 = arith.constant 11 : i32
      %add3A_140 = arith.addi %mul3A_138, %add3A_139 : i32
      %dma_start3A_141 = arith.constant 0 : i32
      %dma_start3A_142 = tpu.memref_slice %arg6[%add3A_140, %dma_start3A_141] : memref<200x128xf32, #tpu.memory_space<vmem>> -> memref<1x128xf32, #tpu.memory_space<vmem>>
      %dma_start3A_143 = tpu.memref_squeeze %dma_start3A_142 : memref<1x128xf32, #tpu.memory_space<vmem>> -> memref<128xf32, #tpu.memory_space<vmem>>
      %dma_start3A_144 = arith.constant 0 : i32
      %dma_start3A_145 = tpu.memref_slice %arg5[%add3A_140, %dma_start3A_144] : memref<200x128xi32, #tpu.memory_space<vmem>> -> memref<1x128xi32, #tpu.memory_space<vmem>>
      %dma_start3A_146 = tpu.memref_squeeze %dma_start3A_145 : memref<1x128xi32, #tpu.memory_space<vmem>> -> memref<128xi32, #tpu.memory_space<vmem>>
      %dma_start3A_147 = arith.constant 0 : i32
      %dma_start3A_148 = tpu.memref_slice %arg2[%dma_start3A_147] : memref<1000000xf32, #tpu.memory_space<hbm>> -> memref<1000000xf32, #tpu.memory_space<hbm>>
      tpu.enqueue_indirect_dma source(%dma_start3A_148 : memref<1000000xf32, #tpu.memory_space<hbm>>) target(%dma_start3A_143 : memref<128xf32, #tpu.memory_space<vmem>>) offsets(%dma_start3A_146 : memref<128xi32, #tpu.memory_space<vmem>>) semaphore(%arg7 : memref<!tpu.dma_semaphore, #tpu.memory_space<semaphore_mem>>)
      %mul3A_149 = arith.constant 20 : i32
      %mul3A_150 = arith.muli %scan3A_5, %mul3A_149 : i32
      %add3A_151 = arith.constant 12 : i32
      %add3A_152 = arith.addi %mul3A_150, %add3A_151 : i32
      %dma_start3A_153 = arith.constant 0 : i32
      %dma_start3A_154 = tpu.memref_slice %arg6[%add3A_152, %dma_start3A_153] : memref<200x128xf32, #tpu.memory_space<vmem>> -> memref<1x128xf32, #tpu.memory_space<vmem>>
      %dma_start3A_155 = tpu.memref_squeeze %dma_start3A_154 : memref<1x128xf32, #tpu.memory_space<vmem>> -> memref<128xf32, #tpu.memory_space<vmem>>
      %dma_start3A_156 = arith.constant 0 : i32
      %dma_start3A_157 = tpu.memref_slice %arg5[%add3A_152, %dma_start3A_156] : memref<200x128xi32, #tpu.memory_space<vmem>> -> memref<1x128xi32, #tpu.memory_space<vmem>>
      %dma_start3A_158 = tpu.memref_squeeze %dma_start3A_157 : memref<1x128xi32, #tpu.memory_space<vmem>> -> memref<128xi32, #tpu.memory_space<vmem>>
      %dma_start3A_159 = arith.constant 0 : i32
      %dma_start3A_160 = tpu.memref_slice %arg2[%dma_start3A_159] : memref<1000000xf32, #tpu.memory_space<hbm>> -> memref<1000000xf32, #tpu.memory_space<hbm>>
      tpu.enqueue_indirect_dma source(%dma_start3A_160 : memref<1000000xf32, #tpu.memory_space<hbm>>) target(%dma_start3A_155 : memref<128xf32, #tpu.memory_space<vmem>>) offsets(%dma_start3A_158 : memref<128xi32, #tpu.memory_space<vmem>>) semaphore(%arg7 : memref<!tpu.dma_semaphore, #tpu.memory_space<semaphore_mem>>)
      %mul3A_161 = arith.constant 20 : i32
      %mul3A_162 = arith.muli %scan3A_5, %mul3A_161 : i32
      %add3A_163 = arith.constant 13 : i32
      %add3A_164 = arith.addi %mul3A_162, %add3A_163 : i32
      %dma_start3A_165 = arith.constant 0 : i32
      %dma_start3A_166 = tpu.memref_slice %arg6[%add3A_164, %dma_start3A_165] : memref<200x128xf32, #tpu.memory_space<vmem>> -> memref<1x128xf32, #tpu.memory_space<vmem>>
      %dma_start3A_167 = tpu.memref_squeeze %dma_start3A_166 : memref<1x128xf32, #tpu.memory_space<vmem>> -> memref<128xf32, #tpu.memory_space<vmem>>
      %dma_start3A_168 = arith.constant 0 : i32
      %dma_start3A_169 = tpu.memref_slice %arg5[%add3A_164, %dma_start3A_168] : memref<200x128xi32, #tpu.memory_space<vmem>> -> memref<1x128xi32, #tpu.memory_space<vmem>>
      %dma_start3A_170 = tpu.memref_squeeze %dma_start3A_169 : memref<1x128xi32, #tpu.memory_space<vmem>> -> memref<128xi32, #tpu.memory_space<vmem>>
      %dma_start3A_171 = arith.constant 0 : i32
      %dma_start3A_172 = tpu.memref_slice %arg2[%dma_start3A_171] : memref<1000000xf32, #tpu.memory_space<hbm>> -> memref<1000000xf32, #tpu.memory_space<hbm>>
      tpu.enqueue_indirect_dma source(%dma_start3A_172 : memref<1000000xf32, #tpu.memory_space<hbm>>) target(%dma_start3A_167 : memref<128xf32, #tpu.memory_space<vmem>>) offsets(%dma_start3A_170 : memref<128xi32, #tpu.memory_space<vmem>>) semaphore(%arg7 : memref<!tpu.dma_semaphore, #tpu.memory_space<semaphore_mem>>)
      %mul3A_173 = arith.constant 20 : i32
      %mul3A_174 = arith.muli %scan3A_5, %mul3A_173 : i32
      %add3A_175 = arith.constant 14 : i32
      %add3A_176 = arith.addi %mul3A_174, %add3A_175 : i32
      %dma_start3A_177 = arith.constant 0 : i32
      %dma_start3A_178 = tpu.memref_slice %arg6[%add3A_176, %dma_start3A_177] : memref<200x128xf32, #tpu.memory_space<vmem>> -> memref<1x128xf32, #tpu.memory_space<vmem>>
      %dma_start3A_179 = tpu.memref_squeeze %dma_start3A_178 : memref<1x128xf32, #tpu.memory_space<vmem>> -> memref<128xf32, #tpu.memory_space<vmem>>
      %dma_start3A_180 = arith.constant 0 : i32
      %dma_start3A_181 = tpu.memref_slice %arg5[%add3A_176, %dma_start3A_180] : memref<200x128xi32, #tpu.memory_space<vmem>> -> memref<1x128xi32, #tpu.memory_space<vmem>>
      %dma_start3A_182 = tpu.memref_squeeze %dma_start3A_181 : memref<1x128xi32, #tpu.memory_space<vmem>> -> memref<128xi32, #tpu.memory_space<vmem>>
      %dma_start3A_183 = arith.constant 0 : i32
      %dma_start3A_184 = tpu.memref_slice %arg2[%dma_start3A_183] : memref<1000000xf32, #tpu.memory_space<hbm>> -> memref<1000000xf32, #tpu.memory_space<hbm>>
      tpu.enqueue_indirect_dma source(%dma_start3A_184 : memref<1000000xf32, #tpu.memory_space<hbm>>) target(%dma_start3A_179 : memref<128xf32, #tpu.memory_space<vmem>>) offsets(%dma_start3A_182 : memref<128xi32, #tpu.memory_space<vmem>>) semaphore(%arg7 : memref<!tpu.dma_semaphore, #tpu.memory_space<semaphore_mem>>)
      %mul3A_185 = arith.constant 20 : i32
      %mul3A_186 = arith.muli %scan3A_5, %mul3A_185 : i32
      %add3A_187 = arith.constant 15 : i32
      %add3A_188 = arith.addi %mul3A_186, %add3A_187 : i32
      %dma_start3A_189 = arith.constant 0 : i32
      %dma_start3A_190 = tpu.memref_slice %arg6[%add3A_188, %dma_start3A_189] : memref<200x128xf32, #tpu.memory_space<vmem>> -> memref<1x128xf32, #tpu.memory_space<vmem>>
      %dma_start3A_191 = tpu.memref_squeeze %dma_start3A_190 : memref<1x128xf32, #tpu.memory_space<vmem>> -> memref<128xf32, #tpu.memory_space<vmem>>
      %dma_start3A_192 = arith.constant 0 : i32
      %dma_start3A_193 = tpu.memref_slice %arg5[%add3A_188, %dma_start3A_192] : memref<200x128xi32, #tpu.memory_space<vmem>> -> memref<1x128xi32, #tpu.memory_space<vmem>>
      %dma_start3A_194 = tpu.memref_squeeze %dma_start3A_193 : memref<1x128xi32, #tpu.memory_space<vmem>> -> memref<128xi32, #tpu.memory_space<vmem>>
      %dma_start3A_195 = arith.constant 0 : i32
      %dma_start3A_196 = tpu.memref_slice %arg2[%dma_start3A_195] : memref<1000000xf32, #tpu.memory_space<hbm>> -> memref<1000000xf32, #tpu.memory_space<hbm>>
      tpu.enqueue_indirect_dma source(%dma_start3A_196 : memref<1000000xf32, #tpu.memory_space<hbm>>) target(%dma_start3A_191 : memref<128xf32, #tpu.memory_space<vmem>>) offsets(%dma_start3A_194 : memref<128xi32, #tpu.memory_space<vmem>>) semaphore(%arg7 : memref<!tpu.dma_semaphore, #tpu.memory_space<semaphore_mem>>)
      %mul3A_197 = arith.constant 20 : i32
      %mul3A_198 = arith.muli %scan3A_5, %mul3A_197 : i32
      %add3A_199 = arith.constant 16 : i32
      %add3A_200 = arith.addi %mul3A_198, %add3A_199 : i32
      %dma_start3A_201 = arith.constant 0 : i32
      %dma_start3A_202 = tpu.memref_slice %arg6[%add3A_200, %dma_start3A_201] : memref<200x128xf32, #tpu.memory_space<vmem>> -> memref<1x128xf32, #tpu.memory_space<vmem>>
      %dma_start3A_203 = tpu.memref_squeeze %dma_start3A_202 : memref<1x128xf32, #tpu.memory_space<vmem>> -> memref<128xf32, #tpu.memory_space<vmem>>
      %dma_start3A_204 = arith.constant 0 : i32
      %dma_start3A_205 = tpu.memref_slice %arg5[%add3A_200, %dma_start3A_204] : memref<200x128xi32, #tpu.memory_space<vmem>> -> memref<1x128xi32, #tpu.memory_space<vmem>>
      %dma_start3A_206 = tpu.memref_squeeze %dma_start3A_205 : memref<1x128xi32, #tpu.memory_space<vmem>> -> memref<128xi32, #tpu.memory_space<vmem>>
      %dma_start3A_207 = arith.constant 0 : i32
      %dma_start3A_208 = tpu.memref_slice %arg2[%dma_start3A_207] : memref<1000000xf32, #tpu.memory_space<hbm>> -> memref<1000000xf32, #tpu.memory_space<hbm>>
      tpu.enqueue_indirect_dma source(%dma_start3A_208 : memref<1000000xf32, #tpu.memory_space<hbm>>) target(%dma_start3A_203 : memref<128xf32, #tpu.memory_space<vmem>>) offsets(%dma_start3A_206 : memref<128xi32, #tpu.memory_space<vmem>>) semaphore(%arg7 : memref<!tpu.dma_semaphore, #tpu.memory_space<semaphore_mem>>)
      %mul3A_209 = arith.constant 20 : i32
      %mul3A_210 = arith.muli %scan3A_5, %mul3A_209 : i32
      %add3A_211 = arith.constant 17 : i32
      %add3A_212 = arith.addi %mul3A_210, %add3A_211 : i32
      %dma_start3A_213 = arith.constant 0 : i32
      %dma_start3A_214 = tpu.memref_slice %arg6[%add3A_212, %dma_start3A_213] : memref<200x128xf32, #tpu.memory_space<vmem>> -> memref<1x128xf32, #tpu.memory_space<vmem>>
      %dma_start3A_215 = tpu.memref_squeeze %dma_start3A_214 : memref<1x128xf32, #tpu.memory_space<vmem>> -> memref<128xf32, #tpu.memory_space<vmem>>
      %dma_start3A_216 = arith.constant 0 : i32
      %dma_start3A_217 = tpu.memref_slice %arg5[%add3A_212, %dma_start3A_216] : memref<200x128xi32, #tpu.memory_space<vmem>> -> memref<1x128xi32, #tpu.memory_space<vmem>>
      %dma_start3A_218 = tpu.memref_squeeze %dma_start3A_217 : memref<1x128xi32, #tpu.memory_space<vmem>> -> memref<128xi32, #tpu.memory_space<vmem>>
      %dma_start3A_219 = arith.constant 0 : i32
      %dma_start3A_220 = tpu.memref_slice %arg2[%dma_start3A_219] : memref<1000000xf32, #tpu.memory_space<hbm>> -> memref<1000000xf32, #tpu.memory_space<hbm>>
      tpu.enqueue_indirect_dma source(%dma_start3A_220 : memref<1000000xf32, #tpu.memory_space<hbm>>) target(%dma_start3A_215 : memref<128xf32, #tpu.memory_space<vmem>>) offsets(%dma_start3A_218 : memref<128xi32, #tpu.memory_space<vmem>>) semaphore(%arg7 : memref<!tpu.dma_semaphore, #tpu.memory_space<semaphore_mem>>)
      %mul3A_221 = arith.constant 20 : i32
      %mul3A_222 = arith.muli %scan3A_5, %mul3A_221 : i32
      %add3A_223 = arith.constant 18 : i32
      %add3A_224 = arith.addi %mul3A_222, %add3A_223 : i32
      %dma_start3A_225 = arith.constant 0 : i32
      %dma_start3A_226 = tpu.memref_slice %arg6[%add3A_224, %dma_start3A_225] : memref<200x128xf32, #tpu.memory_space<vmem>> -> memref<1x128xf32, #tpu.memory_space<vmem>>
      %dma_start3A_227 = tpu.memref_squeeze %dma_start3A_226 : memref<1x128xf32, #tpu.memory_space<vmem>> -> memref<128xf32, #tpu.memory_space<vmem>>
      %dma_start3A_228 = arith.constant 0 : i32
      %dma_start3A_229 = tpu.memref_slice %arg5[%add3A_224, %dma_start3A_228] : memref<200x128xi32, #tpu.memory_space<vmem>> -> memref<1x128xi32, #tpu.memory_space<vmem>>
      %dma_start3A_230 = tpu.memref_squeeze %dma_start3A_229 : memref<1x128xi32, #tpu.memory_space<vmem>> -> memref<128xi32, #tpu.memory_space<vmem>>
      %dma_start3A_231 = arith.constant 0 : i32
      %dma_start3A_232 = tpu.memref_slice %arg2[%dma_start3A_231] : memref<1000000xf32, #tpu.memory_space<hbm>> -> memref<1000000xf32, #tpu.memory_space<hbm>>
      tpu.enqueue_indirect_dma source(%dma_start3A_232 : memref<1000000xf32, #tpu.memory_space<hbm>>) target(%dma_start3A_227 : memref<128xf32, #tpu.memory_space<vmem>>) offsets(%dma_start3A_230 : memref<128xi32, #tpu.memory_space<vmem>>) semaphore(%arg7 : memref<!tpu.dma_semaphore, #tpu.memory_space<semaphore_mem>>)
      %mul3A_233 = arith.constant 20 : i32
      %mul3A_234 = arith.muli %scan3A_5, %mul3A_233 : i32
      %add3A_235 = arith.constant 19 : i32
      %add3A_236 = arith.addi %mul3A_234, %add3A_235 : i32
      %dma_start3A_237 = arith.constant 0 : i32
      %dma_start3A_238 = tpu.memref_slice %arg6[%add3A_236, %dma_start3A_237] : memref<200x128xf32, #tpu.memory_space<vmem>> -> memref<1x128xf32, #tpu.memory_space<vmem>>
      %dma_start3A_239 = tpu.memref_squeeze %dma_start3A_238 : memref<1x128xf32, #tpu.memory_space<vmem>> -> memref<128xf32, #tpu.memory_space<vmem>>
      %dma_start3A_240 = arith.constant 0 : i32
      %dma_start3A_241 = tpu.memref_slice %arg5[%add3A_236, %dma_start3A_240] : memref<200x128xi32, #tpu.memory_space<vmem>> -> memref<1x128xi32, #tpu.memory_space<vmem>>
      %dma_start3A_242 = tpu.memref_squeeze %dma_start3A_241 : memref<1x128xi32, #tpu.memory_space<vmem>> -> memref<128xi32, #tpu.memory_space<vmem>>
      %dma_start3A_243 = arith.constant 0 : i32
      %dma_start3A_244 = tpu.memref_slice %arg2[%dma_start3A_243] : memref<1000000xf32, #tpu.memory_space<hbm>> -> memref<1000000xf32, #tpu.memory_space<hbm>>
      tpu.enqueue_indirect_dma source(%dma_start3A_244 : memref<1000000xf32, #tpu.memory_space<hbm>>) target(%dma_start3A_239 : memref<128xf32, #tpu.memory_space<vmem>>) offsets(%dma_start3A_242 : memref<128xi32, #tpu.memory_space<vmem>>) semaphore(%arg7 : memref<!tpu.dma_semaphore, #tpu.memory_space<semaphore_mem>>)
      %mul3A_245 = arith.constant 20 : i32
      %mul3A_246 = arith.muli %scan3A_5, %mul3A_245 : i32
      %add3A_247 = arith.constant 0 : i32
      %add3A_248 = arith.addi %mul3A_246, %add3A_247 : i32
      %dma_wait3A = arith.constant 0 : i32
      %dma_wait3A_249 = tpu.memref_slice %arg6[%add3A_248, %dma_wait3A] : memref<200x128xf32, #tpu.memory_space<vmem>> -> memref<1x128xf32, #tpu.memory_space<vmem>>
      %dma_wait3A_250 = tpu.memref_squeeze %dma_wait3A_249 : memref<1x128xf32, #tpu.memory_space<vmem>> -> memref<128xf32, #tpu.memory_space<vmem>>
      %dma_wait3A_251 = arith.constant 0 : i32
      %dma_wait3A_252 = tpu.memref_slice %arg5[%add3A_248, %dma_wait3A_251] : memref<200x128xi32, #tpu.memory_space<vmem>> -> memref<1x128xi32, #tpu.memory_space<vmem>>
      %dma_wait3A_253 = tpu.memref_squeeze %dma_wait3A_252 : memref<1x128xi32, #tpu.memory_space<vmem>> -> memref<128xi32, #tpu.memory_space<vmem>>
      %dma_wait3A_254 = arith.constant 0 : i32
      %dma_wait3A_255 = tpu.memref_slice %arg2[%dma_wait3A_254] : memref<1000000xf32, #tpu.memory_space<hbm>> -> memref<1000000xf32, #tpu.memory_space<hbm>>
      tpu.wait_indirect_dma semaphore(%arg7 : memref<!tpu.dma_semaphore, #tpu.memory_space<semaphore_mem>>) src(%dma_wait3A_255 : memref<1000000xf32, #tpu.memory_space<hbm>>) dst(%dma_wait3A_250 : memref<128xf32, #tpu.memory_space<vmem>>)
      %mul3A_256 = arith.constant 20 : i32
      %mul3A_257 = arith.muli %scan3A_5, %mul3A_256 : i32
      %add3A_258 = arith.constant 1 : i32
      %add3A_259 = arith.addi %mul3A_257, %add3A_258 : i32
      %dma_wait3A_260 = arith.constant 0 : i32
      %dma_wait3A_261 = tpu.memref_slice %arg6[%add3A_259, %dma_wait3A_260] : memref<200x128xf32, #tpu.memory_space<vmem>> -> memref<1x128xf32, #tpu.memory_space<vmem>>
      %dma_wait3A_262 = tpu.memref_squeeze %dma_wait3A_261 : memref<1x128xf32, #tpu.memory_space<vmem>> -> memref<128xf32, #tpu.memory_space<vmem>>
      %dma_wait3A_263 = arith.constant 0 : i32
      %dma_wait3A_264 = tpu.memref_slice %arg5[%add3A_259, %dma_wait3A_263] : memref<200x128xi32, #tpu.memory_space<vmem>> -> memref<1x128xi32, #tpu.memory_space<vmem>>
      %dma_wait3A_265 = tpu.memref_squeeze %dma_wait3A_264 : memref<1x128xi32, #tpu.memory_space<vmem>> -> memref<128xi32, #tpu.memory_space<vmem>>
      %dma_wait3A_266 = arith.constant 0 : i32
      %dma_wait3A_267 = tpu.memref_slice %arg2[%dma_wait3A_266] : memref<1000000xf32, #tpu.memory_space<hbm>> -> memref<1000000xf32, #tpu.memory_space<hbm>>
      tpu.wait_indirect_dma semaphore(%arg7 : memref<!tpu.dma_semaphore, #tpu.memory_space<semaphore_mem>>) src(%dma_wait3A_267 : memref<1000000xf32, #tpu.memory_space<hbm>>) dst(%dma_wait3A_262 : memref<128xf32, #tpu.memory_space<vmem>>)
      %mul3A_268 = arith.constant 20 : i32
      %mul3A_269 = arith.muli %scan3A_5, %mul3A_268 : i32
      %add3A_270 = arith.constant 2 : i32
      %add3A_271 = arith.addi %mul3A_269, %add3A_270 : i32
      %dma_wait3A_272 = arith.constant 0 : i32
      %dma_wait3A_273 = tpu.memref_slice %arg6[%add3A_271, %dma_wait3A_272] : memref<200x128xf32, #tpu.memory_space<vmem>> -> memref<1x128xf32, #tpu.memory_space<vmem>>
      %dma_wait3A_274 = tpu.memref_squeeze %dma_wait3A_273 : memref<1x128xf32, #tpu.memory_space<vmem>> -> memref<128xf32, #tpu.memory_space<vmem>>
      %dma_wait3A_275 = arith.constant 0 : i32
      %dma_wait3A_276 = tpu.memref_slice %arg5[%add3A_271, %dma_wait3A_275] : memref<200x128xi32, #tpu.memory_space<vmem>> -> memref<1x128xi32, #tpu.memory_space<vmem>>
      %dma_wait3A_277 = tpu.memref_squeeze %dma_wait3A_276 : memref<1x128xi32, #tpu.memory_space<vmem>> -> memref<128xi32, #tpu.memory_space<vmem>>
      %dma_wait3A_278 = arith.constant 0 : i32
      %dma_wait3A_279 = tpu.memref_slice %arg2[%dma_wait3A_278] : memref<1000000xf32, #tpu.memory_space<hbm>> -> memref<1000000xf32, #tpu.memory_space<hbm>>
      tpu.wait_indirect_dma semaphore(%arg7 : memref<!tpu.dma_semaphore, #tpu.memory_space<semaphore_mem>>) src(%dma_wait3A_279 : memref<1000000xf32, #tpu.memory_space<hbm>>) dst(%dma_wait3A_274 : memref<128xf32, #tpu.memory_space<vmem>>)
      %mul3A_280 = arith.constant 20 : i32
      %mul3A_281 = arith.muli %scan3A_5, %mul3A_280 : i32
      %add3A_282 = arith.constant 3 : i32
      %add3A_283 = arith.addi %mul3A_281, %add3A_282 : i32
      %dma_wait3A_284 = arith.constant 0 : i32
      %dma_wait3A_285 = tpu.memref_slice %arg6[%add3A_283, %dma_wait3A_284] : memref<200x128xf32, #tpu.memory_space<vmem>> -> memref<1x128xf32, #tpu.memory_space<vmem>>
      %dma_wait3A_286 = tpu.memref_squeeze %dma_wait3A_285 : memref<1x128xf32, #tpu.memory_space<vmem>> -> memref<128xf32, #tpu.memory_space<vmem>>
      %dma_wait3A_287 = arith.constant 0 : i32
      %dma_wait3A_288 = tpu.memref_slice %arg5[%add3A_283, %dma_wait3A_287] : memref<200x128xi32, #tpu.memory_space<vmem>> -> memref<1x128xi32, #tpu.memory_space<vmem>>
      %dma_wait3A_289 = tpu.memref_squeeze %dma_wait3A_288 : memref<1x128xi32, #tpu.memory_space<vmem>> -> memref<128xi32, #tpu.memory_space<vmem>>
      %dma_wait3A_290 = arith.constant 0 : i32
      %dma_wait3A_291 = tpu.memref_slice %arg2[%dma_wait3A_290] : memref<1000000xf32, #tpu.memory_space<hbm>> -> memref<1000000xf32, #tpu.memory_space<hbm>>
      tpu.wait_indirect_dma semaphore(%arg7 : memref<!tpu.dma_semaphore, #tpu.memory_space<semaphore_mem>>) src(%dma_wait3A_291 : memref<1000000xf32, #tpu.memory_space<hbm>>) dst(%dma_wait3A_286 : memref<128xf32, #tpu.memory_space<vmem>>)
      %mul3A_292 = arith.constant 20 : i32
      %mul3A_293 = arith.muli %scan3A_5, %mul3A_292 : i32
      %add3A_294 = arith.constant 4 : i32
      %add3A_295 = arith.addi %mul3A_293, %add3A_294 : i32
      %dma_wait3A_296 = arith.constant 0 : i32
      %dma_wait3A_297 = tpu.memref_slice %arg6[%add3A_295, %dma_wait3A_296] : memref<200x128xf32, #tpu.memory_space<vmem>> -> memref<1x128xf32, #tpu.memory_space<vmem>>
      %dma_wait3A_298 = tpu.memref_squeeze %dma_wait3A_297 : memref<1x128xf32, #tpu.memory_space<vmem>> -> memref<128xf32, #tpu.memory_space<vmem>>
      %dma_wait3A_299 = arith.constant 0 : i32
      %dma_wait3A_300 = tpu.memref_slice %arg5[%add3A_295, %dma_wait3A_299] : memref<200x128xi32, #tpu.memory_space<vmem>> -> memref<1x128xi32, #tpu.memory_space<vmem>>
      %dma_wait3A_301 = tpu.memref_squeeze %dma_wait3A_300 : memref<1x128xi32, #tpu.memory_space<vmem>> -> memref<128xi32, #tpu.memory_space<vmem>>
      %dma_wait3A_302 = arith.constant 0 : i32
      %dma_wait3A_303 = tpu.memref_slice %arg2[%dma_wait3A_302] : memref<1000000xf32, #tpu.memory_space<hbm>> -> memref<1000000xf32, #tpu.memory_space<hbm>>
      tpu.wait_indirect_dma semaphore(%arg7 : memref<!tpu.dma_semaphore, #tpu.memory_space<semaphore_mem>>) src(%dma_wait3A_303 : memref<1000000xf32, #tpu.memory_space<hbm>>) dst(%dma_wait3A_298 : memref<128xf32, #tpu.memory_space<vmem>>)
      %mul3A_304 = arith.constant 20 : i32
      %mul3A_305 = arith.muli %scan3A_5, %mul3A_304 : i32
      %add3A_306 = arith.constant 5 : i32
      %add3A_307 = arith.addi %mul3A_305, %add3A_306 : i32
      %dma_wait3A_308 = arith.constant 0 : i32
      %dma_wait3A_309 = tpu.memref_slice %arg6[%add3A_307, %dma_wait3A_308] : memref<200x128xf32, #tpu.memory_space<vmem>> -> memref<1x128xf32, #tpu.memory_space<vmem>>
      %dma_wait3A_310 = tpu.memref_squeeze %dma_wait3A_309 : memref<1x128xf32, #tpu.memory_space<vmem>> -> memref<128xf32, #tpu.memory_space<vmem>>
      %dma_wait3A_311 = arith.constant 0 : i32
      %dma_wait3A_312 = tpu.memref_slice %arg5[%add3A_307, %dma_wait3A_311] : memref<200x128xi32, #tpu.memory_space<vmem>> -> memref<1x128xi32, #tpu.memory_space<vmem>>
      %dma_wait3A_313 = tpu.memref_squeeze %dma_wait3A_312 : memref<1x128xi32, #tpu.memory_space<vmem>> -> memref<128xi32, #tpu.memory_space<vmem>>
      %dma_wait3A_314 = arith.constant 0 : i32
      %dma_wait3A_315 = tpu.memref_slice %arg2[%dma_wait3A_314] : memref<1000000xf32, #tpu.memory_space<hbm>> -> memref<1000000xf32, #tpu.memory_space<hbm>>
      tpu.wait_indirect_dma semaphore(%arg7 : memref<!tpu.dma_semaphore, #tpu.memory_space<semaphore_mem>>) src(%dma_wait3A_315 : memref<1000000xf32, #tpu.memory_space<hbm>>) dst(%dma_wait3A_310 : memref<128xf32, #tpu.memory_space<vmem>>)
      %mul3A_316 = arith.constant 20 : i32
      %mul3A_317 = arith.muli %scan3A_5, %mul3A_316 : i32
      %add3A_318 = arith.constant 6 : i32
      %add3A_319 = arith.addi %mul3A_317, %add3A_318 : i32
      %dma_wait3A_320 = arith.constant 0 : i32
      %dma_wait3A_321 = tpu.memref_slice %arg6[%add3A_319, %dma_wait3A_320] : memref<200x128xf32, #tpu.memory_space<vmem>> -> memref<1x128xf32, #tpu.memory_space<vmem>>
      %dma_wait3A_322 = tpu.memref_squeeze %dma_wait3A_321 : memref<1x128xf32, #tpu.memory_space<vmem>> -> memref<128xf32, #tpu.memory_space<vmem>>
      %dma_wait3A_323 = arith.constant 0 : i32
      %dma_wait3A_324 = tpu.memref_slice %arg5[%add3A_319, %dma_wait3A_323] : memref<200x128xi32, #tpu.memory_space<vmem>> -> memref<1x128xi32, #tpu.memory_space<vmem>>
      %dma_wait3A_325 = tpu.memref_squeeze %dma_wait3A_324 : memref<1x128xi32, #tpu.memory_space<vmem>> -> memref<128xi32, #tpu.memory_space<vmem>>
      %dma_wait3A_326 = arith.constant 0 : i32
      %dma_wait3A_327 = tpu.memref_slice %arg2[%dma_wait3A_326] : memref<1000000xf32, #tpu.memory_space<hbm>> -> memref<1000000xf32, #tpu.memory_space<hbm>>
      tpu.wait_indirect_dma semaphore(%arg7 : memref<!tpu.dma_semaphore, #tpu.memory_space<semaphore_mem>>) src(%dma_wait3A_327 : memref<1000000xf32, #tpu.memory_space<hbm>>) dst(%dma_wait3A_322 : memref<128xf32, #tpu.memory_space<vmem>>)
      %mul3A_328 = arith.constant 20 : i32
      %mul3A_329 = arith.muli %scan3A_5, %mul3A_328 : i32
      %add3A_330 = arith.constant 7 : i32
      %add3A_331 = arith.addi %mul3A_329, %add3A_330 : i32
      %dma_wait3A_332 = arith.constant 0 : i32
      %dma_wait3A_333 = tpu.memref_slice %arg6[%add3A_331, %dma_wait3A_332] : memref<200x128xf32, #tpu.memory_space<vmem>> -> memref<1x128xf32, #tpu.memory_space<vmem>>
      %dma_wait3A_334 = tpu.memref_squeeze %dma_wait3A_333 : memref<1x128xf32, #tpu.memory_space<vmem>> -> memref<128xf32, #tpu.memory_space<vmem>>
      %dma_wait3A_335 = arith.constant 0 : i32
      %dma_wait3A_336 = tpu.memref_slice %arg5[%add3A_331, %dma_wait3A_335] : memref<200x128xi32, #tpu.memory_space<vmem>> -> memref<1x128xi32, #tpu.memory_space<vmem>>
      %dma_wait3A_337 = tpu.memref_squeeze %dma_wait3A_336 : memref<1x128xi32, #tpu.memory_space<vmem>> -> memref<128xi32, #tpu.memory_space<vmem>>
      %dma_wait3A_338 = arith.constant 0 : i32
      %dma_wait3A_339 = tpu.memref_slice %arg2[%dma_wait3A_338] : memref<1000000xf32, #tpu.memory_space<hbm>> -> memref<1000000xf32, #tpu.memory_space<hbm>>
      tpu.wait_indirect_dma semaphore(%arg7 : memref<!tpu.dma_semaphore, #tpu.memory_space<semaphore_mem>>) src(%dma_wait3A_339 : memref<1000000xf32, #tpu.memory_space<hbm>>) dst(%dma_wait3A_334 : memref<128xf32, #tpu.memory_space<vmem>>)
      %mul3A_340 = arith.constant 20 : i32
      %mul3A_341 = arith.muli %scan3A_5, %mul3A_340 : i32
      %add3A_342 = arith.constant 8 : i32
      %add3A_343 = arith.addi %mul3A_341, %add3A_342 : i32
      %dma_wait3A_344 = arith.constant 0 : i32
      %dma_wait3A_345 = tpu.memref_slice %arg6[%add3A_343, %dma_wait3A_344] : memref<200x128xf32, #tpu.memory_space<vmem>> -> memref<1x128xf32, #tpu.memory_space<vmem>>
      %dma_wait3A_346 = tpu.memref_squeeze %dma_wait3A_345 : memref<1x128xf32, #tpu.memory_space<vmem>> -> memref<128xf32, #tpu.memory_space<vmem>>
      %dma_wait3A_347 = arith.constant 0 : i32
      %dma_wait3A_348 = tpu.memref_slice %arg5[%add3A_343, %dma_wait3A_347] : memref<200x128xi32, #tpu.memory_space<vmem>> -> memref<1x128xi32, #tpu.memory_space<vmem>>
      %dma_wait3A_349 = tpu.memref_squeeze %dma_wait3A_348 : memref<1x128xi32, #tpu.memory_space<vmem>> -> memref<128xi32, #tpu.memory_space<vmem>>
      %dma_wait3A_350 = arith.constant 0 : i32
      %dma_wait3A_351 = tpu.memref_slice %arg2[%dma_wait3A_350] : memref<1000000xf32, #tpu.memory_space<hbm>> -> memref<1000000xf32, #tpu.memory_space<hbm>>
      tpu.wait_indirect_dma semaphore(%arg7 : memref<!tpu.dma_semaphore, #tpu.memory_space<semaphore_mem>>) src(%dma_wait3A_351 : memref<1000000xf32, #tpu.memory_space<hbm>>) dst(%dma_wait3A_346 : memref<128xf32, #tpu.memory_space<vmem>>)
      %mul3A_352 = arith.constant 20 : i32
      %mul3A_353 = arith.muli %scan3A_5, %mul3A_352 : i32
      %add3A_354 = arith.constant 9 : i32
      %add3A_355 = arith.addi %mul3A_353, %add3A_354 : i32
      %dma_wait3A_356 = arith.constant 0 : i32
      %dma_wait3A_357 = tpu.memref_slice %arg6[%add3A_355, %dma_wait3A_356] : memref<200x128xf32, #tpu.memory_space<vmem>> -> memref<1x128xf32, #tpu.memory_space<vmem>>
      %dma_wait3A_358 = tpu.memref_squeeze %dma_wait3A_357 : memref<1x128xf32, #tpu.memory_space<vmem>> -> memref<128xf32, #tpu.memory_space<vmem>>
      %dma_wait3A_359 = arith.constant 0 : i32
      %dma_wait3A_360 = tpu.memref_slice %arg5[%add3A_355, %dma_wait3A_359] : memref<200x128xi32, #tpu.memory_space<vmem>> -> memref<1x128xi32, #tpu.memory_space<vmem>>
      %dma_wait3A_361 = tpu.memref_squeeze %dma_wait3A_360 : memref<1x128xi32, #tpu.memory_space<vmem>> -> memref<128xi32, #tpu.memory_space<vmem>>
      %dma_wait3A_362 = arith.constant 0 : i32
      %dma_wait3A_363 = tpu.memref_slice %arg2[%dma_wait3A_362] : memref<1000000xf32, #tpu.memory_space<hbm>> -> memref<1000000xf32, #tpu.memory_space<hbm>>
      tpu.wait_indirect_dma semaphore(%arg7 : memref<!tpu.dma_semaphore, #tpu.memory_space<semaphore_mem>>) src(%dma_wait3A_363 : memref<1000000xf32, #tpu.memory_space<hbm>>) dst(%dma_wait3A_358 : memref<128xf32, #tpu.memory_space<vmem>>)
      %mul3A_364 = arith.constant 20 : i32
      %mul3A_365 = arith.muli %scan3A_5, %mul3A_364 : i32
      %add3A_366 = arith.constant 10 : i32
      %add3A_367 = arith.addi %mul3A_365, %add3A_366 : i32
      %dma_wait3A_368 = arith.constant 0 : i32
      %dma_wait3A_369 = tpu.memref_slice %arg6[%add3A_367, %dma_wait3A_368] : memref<200x128xf32, #tpu.memory_space<vmem>> -> memref<1x128xf32, #tpu.memory_space<vmem>>
      %dma_wait3A_370 = tpu.memref_squeeze %dma_wait3A_369 : memref<1x128xf32, #tpu.memory_space<vmem>> -> memref<128xf32, #tpu.memory_space<vmem>>
      %dma_wait3A_371 = arith.constant 0 : i32
      %dma_wait3A_372 = tpu.memref_slice %arg5[%add3A_367, %dma_wait3A_371] : memref<200x128xi32, #tpu.memory_space<vmem>> -> memref<1x128xi32, #tpu.memory_space<vmem>>
      %dma_wait3A_373 = tpu.memref_squeeze %dma_wait3A_372 : memref<1x128xi32, #tpu.memory_space<vmem>> -> memref<128xi32, #tpu.memory_space<vmem>>
      %dma_wait3A_374 = arith.constant 0 : i32
      %dma_wait3A_375 = tpu.memref_slice %arg2[%dma_wait3A_374] : memref<1000000xf32, #tpu.memory_space<hbm>> -> memref<1000000xf32, #tpu.memory_space<hbm>>
      tpu.wait_indirect_dma semaphore(%arg7 : memref<!tpu.dma_semaphore, #tpu.memory_space<semaphore_mem>>) src(%dma_wait3A_375 : memref<1000000xf32, #tpu.memory_space<hbm>>) dst(%dma_wait3A_370 : memref<128xf32, #tpu.memory_space<vmem>>)
      %mul3A_376 = arith.constant 20 : i32
      %mul3A_377 = arith.muli %scan3A_5, %mul3A_376 : i32
      %add3A_378 = arith.constant 11 : i32
      %add3A_379 = arith.addi %mul3A_377, %add3A_378 : i32
      %dma_wait3A_380 = arith.constant 0 : i32
      %dma_wait3A_381 = tpu.memref_slice %arg6[%add3A_379, %dma_wait3A_380] : memref<200x128xf32, #tpu.memory_space<vmem>> -> memref<1x128xf32, #tpu.memory_space<vmem>>
      %dma_wait3A_382 = tpu.memref_squeeze %dma_wait3A_381 : memref<1x128xf32, #tpu.memory_space<vmem>> -> memref<128xf32, #tpu.memory_space<vmem>>
      %dma_wait3A_383 = arith.constant 0 : i32
      %dma_wait3A_384 = tpu.memref_slice %arg5[%add3A_379, %dma_wait3A_383] : memref<200x128xi32, #tpu.memory_space<vmem>> -> memref<1x128xi32, #tpu.memory_space<vmem>>
      %dma_wait3A_385 = tpu.memref_squeeze %dma_wait3A_384 : memref<1x128xi32, #tpu.memory_space<vmem>> -> memref<128xi32, #tpu.memory_space<vmem>>
      %dma_wait3A_386 = arith.constant 0 : i32
      %dma_wait3A_387 = tpu.memref_slice %arg2[%dma_wait3A_386] : memref<1000000xf32, #tpu.memory_space<hbm>> -> memref<1000000xf32, #tpu.memory_space<hbm>>
      tpu.wait_indirect_dma semaphore(%arg7 : memref<!tpu.dma_semaphore, #tpu.memory_space<semaphore_mem>>) src(%dma_wait3A_387 : memref<1000000xf32, #tpu.memory_space<hbm>>) dst(%dma_wait3A_382 : memref<128xf32, #tpu.memory_space<vmem>>)
      %mul3A_388 = arith.constant 20 : i32
      %mul3A_389 = arith.muli %scan3A_5, %mul3A_388 : i32
      %add3A_390 = arith.constant 12 : i32
      %add3A_391 = arith.addi %mul3A_389, %add3A_390 : i32
      %dma_wait3A_392 = arith.constant 0 : i32
      %dma_wait3A_393 = tpu.memref_slice %arg6[%add3A_391, %dma_wait3A_392] : memref<200x128xf32, #tpu.memory_space<vmem>> -> memref<1x128xf32, #tpu.memory_space<vmem>>
      %dma_wait3A_394 = tpu.memref_squeeze %dma_wait3A_393 : memref<1x128xf32, #tpu.memory_space<vmem>> -> memref<128xf32, #tpu.memory_space<vmem>>
      %dma_wait3A_395 = arith.constant 0 : i32
      %dma_wait3A_396 = tpu.memref_slice %arg5[%add3A_391, %dma_wait3A_395] : memref<200x128xi32, #tpu.memory_space<vmem>> -> memref<1x128xi32, #tpu.memory_space<vmem>>
      %dma_wait3A_397 = tpu.memref_squeeze %dma_wait3A_396 : memref<1x128xi32, #tpu.memory_space<vmem>> -> memref<128xi32, #tpu.memory_space<vmem>>
      %dma_wait3A_398 = arith.constant 0 : i32
      %dma_wait3A_399 = tpu.memref_slice %arg2[%dma_wait3A_398] : memref<1000000xf32, #tpu.memory_space<hbm>> -> memref<1000000xf32, #tpu.memory_space<hbm>>
      tpu.wait_indirect_dma semaphore(%arg7 : memref<!tpu.dma_semaphore, #tpu.memory_space<semaphore_mem>>) src(%dma_wait3A_399 : memref<1000000xf32, #tpu.memory_space<hbm>>) dst(%dma_wait3A_394 : memref<128xf32, #tpu.memory_space<vmem>>)
      %mul3A_400 = arith.constant 20 : i32
      %mul3A_401 = arith.muli %scan3A_5, %mul3A_400 : i32
      %add3A_402 = arith.constant 13 : i32
      %add3A_403 = arith.addi %mul3A_401, %add3A_402 : i32
      %dma_wait3A_404 = arith.constant 0 : i32
      %dma_wait3A_405 = tpu.memref_slice %arg6[%add3A_403, %dma_wait3A_404] : memref<200x128xf32, #tpu.memory_space<vmem>> -> memref<1x128xf32, #tpu.memory_space<vmem>>
      %dma_wait3A_406 = tpu.memref_squeeze %dma_wait3A_405 : memref<1x128xf32, #tpu.memory_space<vmem>> -> memref<128xf32, #tpu.memory_space<vmem>>
      %dma_wait3A_407 = arith.constant 0 : i32
      %dma_wait3A_408 = tpu.memref_slice %arg5[%add3A_403, %dma_wait3A_407] : memref<200x128xi32, #tpu.memory_space<vmem>> -> memref<1x128xi32, #tpu.memory_space<vmem>>
      %dma_wait3A_409 = tpu.memref_squeeze %dma_wait3A_408 : memref<1x128xi32, #tpu.memory_space<vmem>> -> memref<128xi32, #tpu.memory_space<vmem>>
      %dma_wait3A_410 = arith.constant 0 : i32
      %dma_wait3A_411 = tpu.memref_slice %arg2[%dma_wait3A_410] : memref<1000000xf32, #tpu.memory_space<hbm>> -> memref<1000000xf32, #tpu.memory_space<hbm>>
      tpu.wait_indirect_dma semaphore(%arg7 : memref<!tpu.dma_semaphore, #tpu.memory_space<semaphore_mem>>) src(%dma_wait3A_411 : memref<1000000xf32, #tpu.memory_space<hbm>>) dst(%dma_wait3A_406 : memref<128xf32, #tpu.memory_space<vmem>>)
      %mul3A_412 = arith.constant 20 : i32
      %mul3A_413 = arith.muli %scan3A_5, %mul3A_412 : i32
      %add3A_414 = arith.constant 14 : i32
      %add3A_415 = arith.addi %mul3A_413, %add3A_414 : i32
      %dma_wait3A_416 = arith.constant 0 : i32
      %dma_wait3A_417 = tpu.memref_slice %arg6[%add3A_415, %dma_wait3A_416] : memref<200x128xf32, #tpu.memory_space<vmem>> -> memref<1x128xf32, #tpu.memory_space<vmem>>
      %dma_wait3A_418 = tpu.memref_squeeze %dma_wait3A_417 : memref<1x128xf32, #tpu.memory_space<vmem>> -> memref<128xf32, #tpu.memory_space<vmem>>
      %dma_wait3A_419 = arith.constant 0 : i32
      %dma_wait3A_420 = tpu.memref_slice %arg5[%add3A_415, %dma_wait3A_419] : memref<200x128xi32, #tpu.memory_space<vmem>> -> memref<1x128xi32, #tpu.memory_space<vmem>>
      %dma_wait3A_421 = tpu.memref_squeeze %dma_wait3A_420 : memref<1x128xi32, #tpu.memory_space<vmem>> -> memref<128xi32, #tpu.memory_space<vmem>>
      %dma_wait3A_422 = arith.constant 0 : i32
      %dma_wait3A_423 = tpu.memref_slice %arg2[%dma_wait3A_422] : memref<1000000xf32, #tpu.memory_space<hbm>> -> memref<1000000xf32, #tpu.memory_space<hbm>>
      tpu.wait_indirect_dma semaphore(%arg7 : memref<!tpu.dma_semaphore, #tpu.memory_space<semaphore_mem>>) src(%dma_wait3A_423 : memref<1000000xf32, #tpu.memory_space<hbm>>) dst(%dma_wait3A_418 : memref<128xf32, #tpu.memory_space<vmem>>)
      %mul3A_424 = arith.constant 20 : i32
      %mul3A_425 = arith.muli %scan3A_5, %mul3A_424 : i32
      %add3A_426 = arith.constant 15 : i32
      %add3A_427 = arith.addi %mul3A_425, %add3A_426 : i32
      %dma_wait3A_428 = arith.constant 0 : i32
      %dma_wait3A_429 = tpu.memref_slice %arg6[%add3A_427, %dma_wait3A_428] : memref<200x128xf32, #tpu.memory_space<vmem>> -> memref<1x128xf32, #tpu.memory_space<vmem>>
      %dma_wait3A_430 = tpu.memref_squeeze %dma_wait3A_429 : memref<1x128xf32, #tpu.memory_space<vmem>> -> memref<128xf32, #tpu.memory_space<vmem>>
      %dma_wait3A_431 = arith.constant 0 : i32
      %dma_wait3A_432 = tpu.memref_slice %arg5[%add3A_427, %dma_wait3A_431] : memref<200x128xi32, #tpu.memory_space<vmem>> -> memref<1x128xi32, #tpu.memory_space<vmem>>
      %dma_wait3A_433 = tpu.memref_squeeze %dma_wait3A_432 : memref<1x128xi32, #tpu.memory_space<vmem>> -> memref<128xi32, #tpu.memory_space<vmem>>
      %dma_wait3A_434 = arith.constant 0 : i32
      %dma_wait3A_435 = tpu.memref_slice %arg2[%dma_wait3A_434] : memref<1000000xf32, #tpu.memory_space<hbm>> -> memref<1000000xf32, #tpu.memory_space<hbm>>
      tpu.wait_indirect_dma semaphore(%arg7 : memref<!tpu.dma_semaphore, #tpu.memory_space<semaphore_mem>>) src(%dma_wait3A_435 : memref<1000000xf32, #tpu.memory_space<hbm>>) dst(%dma_wait3A_430 : memref<128xf32, #tpu.memory_space<vmem>>)
      %mul3A_436 = arith.constant 20 : i32
      %mul3A_437 = arith.muli %scan3A_5, %mul3A_436 : i32
      %add3A_438 = arith.constant 16 : i32
      %add3A_439 = arith.addi %mul3A_437, %add3A_438 : i32
      %dma_wait3A_440 = arith.constant 0 : i32
      %dma_wait3A_441 = tpu.memref_slice %arg6[%add3A_439, %dma_wait3A_440] : memref<200x128xf32, #tpu.memory_space<vmem>> -> memref<1x128xf32, #tpu.memory_space<vmem>>
      %dma_wait3A_442 = tpu.memref_squeeze %dma_wait3A_441 : memref<1x128xf32, #tpu.memory_space<vmem>> -> memref<128xf32, #tpu.memory_space<vmem>>
      %dma_wait3A_443 = arith.constant 0 : i32
      %dma_wait3A_444 = tpu.memref_slice %arg5[%add3A_439, %dma_wait3A_443] : memref<200x128xi32, #tpu.memory_space<vmem>> -> memref<1x128xi32, #tpu.memory_space<vmem>>
      %dma_wait3A_445 = tpu.memref_squeeze %dma_wait3A_444 : memref<1x128xi32, #tpu.memory_space<vmem>> -> memref<128xi32, #tpu.memory_space<vmem>>
      %dma_wait3A_446 = arith.constant 0 : i32
      %dma_wait3A_447 = tpu.memref_slice %arg2[%dma_wait3A_446] : memref<1000000xf32, #tpu.memory_space<hbm>> -> memref<1000000xf32, #tpu.memory_space<hbm>>
      tpu.wait_indirect_dma semaphore(%arg7 : memref<!tpu.dma_semaphore, #tpu.memory_space<semaphore_mem>>) src(%dma_wait3A_447 : memref<1000000xf32, #tpu.memory_space<hbm>>) dst(%dma_wait3A_442 : memref<128xf32, #tpu.memory_space<vmem>>)
      %mul3A_448 = arith.constant 20 : i32
      %mul3A_449 = arith.muli %scan3A_5, %mul3A_448 : i32
      %add3A_450 = arith.constant 17 : i32
      %add3A_451 = arith.addi %mul3A_449, %add3A_450 : i32
      %dma_wait3A_452 = arith.constant 0 : i32
      %dma_wait3A_453 = tpu.memref_slice %arg6[%add3A_451, %dma_wait3A_452] : memref<200x128xf32, #tpu.memory_space<vmem>> -> memref<1x128xf32, #tpu.memory_space<vmem>>
      %dma_wait3A_454 = tpu.memref_squeeze %dma_wait3A_453 : memref<1x128xf32, #tpu.memory_space<vmem>> -> memref<128xf32, #tpu.memory_space<vmem>>
      %dma_wait3A_455 = arith.constant 0 : i32
      %dma_wait3A_456 = tpu.memref_slice %arg5[%add3A_451, %dma_wait3A_455] : memref<200x128xi32, #tpu.memory_space<vmem>> -> memref<1x128xi32, #tpu.memory_space<vmem>>
      %dma_wait3A_457 = tpu.memref_squeeze %dma_wait3A_456 : memref<1x128xi32, #tpu.memory_space<vmem>> -> memref<128xi32, #tpu.memory_space<vmem>>
      %dma_wait3A_458 = arith.constant 0 : i32
      %dma_wait3A_459 = tpu.memref_slice %arg2[%dma_wait3A_458] : memref<1000000xf32, #tpu.memory_space<hbm>> -> memref<1000000xf32, #tpu.memory_space<hbm>>
      tpu.wait_indirect_dma semaphore(%arg7 : memref<!tpu.dma_semaphore, #tpu.memory_space<semaphore_mem>>) src(%dma_wait3A_459 : memref<1000000xf32, #tpu.memory_space<hbm>>) dst(%dma_wait3A_454 : memref<128xf32, #tpu.memory_space<vmem>>)
      %mul3A_460 = arith.constant 20 : i32
      %mul3A_461 = arith.muli %scan3A_5, %mul3A_460 : i32
      %add3A_462 = arith.constant 18 : i32
      %add3A_463 = arith.addi %mul3A_461, %add3A_462 : i32
      %dma_wait3A_464 = arith.constant 0 : i32
      %dma_wait3A_465 = tpu.memref_slice %arg6[%add3A_463, %dma_wait3A_464] : memref<200x128xf32, #tpu.memory_space<vmem>> -> memref<1x128xf32, #tpu.memory_space<vmem>>
      %dma_wait3A_466 = tpu.memref_squeeze %dma_wait3A_465 : memref<1x128xf32, #tpu.memory_space<vmem>> -> memref<128xf32, #tpu.memory_space<vmem>>
      %dma_wait3A_467 = arith.constant 0 : i32
      %dma_wait3A_468 = tpu.memref_slice %arg5[%add3A_463, %dma_wait3A_467] : memref<200x128xi32, #tpu.memory_space<vmem>> -> memref<1x128xi32, #tpu.memory_space<vmem>>
      %dma_wait3A_469 = tpu.memref_squeeze %dma_wait3A_468 : memref<1x128xi32, #tpu.memory_space<vmem>> -> memref<128xi32, #tpu.memory_space<vmem>>
      %dma_wait3A_470 = arith.constant 0 : i32
      %dma_wait3A_471 = tpu.memref_slice %arg2[%dma_wait3A_470] : memref<1000000xf32, #tpu.memory_space<hbm>> -> memref<1000000xf32, #tpu.memory_space<hbm>>
      tpu.wait_indirect_dma semaphore(%arg7 : memref<!tpu.dma_semaphore, #tpu.memory_space<semaphore_mem>>) src(%dma_wait3A_471 : memref<1000000xf32, #tpu.memory_space<hbm>>) dst(%dma_wait3A_466 : memref<128xf32, #tpu.memory_space<vmem>>)
      %mul3A_472 = arith.constant 20 : i32
      %mul3A_473 = arith.muli %scan3A_5, %mul3A_472 : i32
      %add3A_474 = arith.constant 19 : i32
      %add3A_475 = arith.addi %mul3A_473, %add3A_474 : i32
      %dma_wait3A_476 = arith.constant 0 : i32
      %dma_wait3A_477 = tpu.memref_slice %arg6[%add3A_475, %dma_wait3A_476] : memref<200x128xf32, #tpu.memory_space<vmem>> -> memref<1x128xf32, #tpu.memory_space<vmem>>
      %dma_wait3A_478 = tpu.memref_squeeze %dma_wait3A_477 : memref<1x128xf32, #tpu.memory_space<vmem>> -> memref<128xf32, #tpu.memory_space<vmem>>
      %dma_wait3A_479 = arith.constant 0 : i32
      %dma_wait3A_480 = tpu.memref_slice %arg5[%add3A_475, %dma_wait3A_479] : memref<200x128xi32, #tpu.memory_space<vmem>> -> memref<1x128xi32, #tpu.memory_space<vmem>>
      %dma_wait3A_481 = tpu.memref_squeeze %dma_wait3A_480 : memref<1x128xi32, #tpu.memory_space<vmem>> -> memref<128xi32, #tpu.memory_space<vmem>>
      %dma_wait3A_482 = arith.constant 0 : i32
      %dma_wait3A_483 = tpu.memref_slice %arg2[%dma_wait3A_482] : memref<1000000xf32, #tpu.memory_space<hbm>> -> memref<1000000xf32, #tpu.memory_space<hbm>>
      tpu.wait_indirect_dma semaphore(%arg7 : memref<!tpu.dma_semaphore, #tpu.memory_space<semaphore_mem>>) src(%dma_wait3A_483 : memref<1000000xf32, #tpu.memory_space<hbm>>) dst(%dma_wait3A_478 : memref<128xf32, #tpu.memory_space<vmem>>)
    }
    %scan3A_4 = arith.constant 10 : i32
    "tpu.region"() ({
      %run_scoped3A = tpu.sem_alloc : memref<!tpu.dma_semaphore, #tpu.memory_space<semaphore_mem>>
      %dma_start3A = arith.constant 0 : i32
      %dma_start3A_5 = arith.constant 0 : i32
      %dma_start3A_6 = tpu.memref_slice %arg4[%add3A, %dma_start3A, %dma_start3A_5] : memref<32x200x128xf32, #tpu.memory_space<hbm>> -> memref<1x200x128xf32, #tpu.memory_space<hbm>>
      %dma_start3A_7 = tpu.memref_squeeze %dma_start3A_6 : memref<1x200x128xf32, #tpu.memory_space<hbm>> -> memref<200x128xf32, #tpu.memory_space<hbm>>
      %dma_start3A_8 = arith.constant 0 : i32
      %dma_start3A_9 = arith.constant 0 : i32
      %dma_start3A_10 = tpu.memref_slice %arg4[%add3A, %dma_start3A_8, %dma_start3A_9] : memref<32x200x128xf32, #tpu.memory_space<hbm>> -> memref<1x200x128xf32, #tpu.memory_space<hbm>>
      %dma_start3A_11 = tpu.memref_squeeze %dma_start3A_10 : memref<1x200x128xf32, #tpu.memory_space<hbm>> -> memref<200x128xf32, #tpu.memory_space<hbm>>
      tpu.enqueue_dma source(%arg6 : memref<200x128xf32, #tpu.memory_space<vmem>>) target(%dma_start3A_11 : memref<200x128xf32, #tpu.memory_space<hbm>>) target_semaphore(%run_scoped3A : memref<!tpu.dma_semaphore, #tpu.memory_space<semaphore_mem>>)
      %dma_wait3A = arith.constant 0 : i32
      %dma_wait3A_12 = arith.constant 0 : i32
      %dma_wait3A_13 = tpu.memref_slice %arg4[%add3A, %dma_wait3A, %dma_wait3A_12] : memref<32x200x128xf32, #tpu.memory_space<hbm>> -> memref<1x200x128xf32, #tpu.memory_space<hbm>>
      %dma_wait3A_14 = tpu.memref_squeeze %dma_wait3A_13 : memref<1x200x128xf32, #tpu.memory_space<hbm>> -> memref<200x128xf32, #tpu.memory_space<hbm>>
      %dma_wait3A_15 = arith.constant 0 : i32
      %dma_wait3A_16 = arith.constant 0 : i32
      %dma_wait3A_17 = tpu.memref_slice %arg4[%add3A, %dma_wait3A_15, %dma_wait3A_16] : memref<32x200x128xf32, #tpu.memory_space<hbm>> -> memref<1x200x128xf32, #tpu.memory_space<hbm>>
      %dma_wait3A_18 = tpu.memref_squeeze %dma_wait3A_17 : memref<1x200x128xf32, #tpu.memory_space<hbm>> -> memref<200x128xf32, #tpu.memory_space<hbm>>
      tpu.wait_dma2 semaphore(%run_scoped3A : memref<!tpu.dma_semaphore, #tpu.memory_space<semaphore_mem>>) src(%arg6 : memref<200x128xf32, #tpu.memory_space<vmem>>) dst(%dma_wait3A_18 : memref<200x128xf32, #tpu.memory_space<hbm>>)
      tpu.yield
    }) : () -> ()
    return
  }
}

module attributes {stable_mosaic.version = 14 : i64} {
  func.func @_mean_body(%arg0: i32, %arg1: memref<32x32768xf32, #tpu.memory_space<vmem>>, %arg2: memref<32768xf32, #tpu.memory_space<vmem>>) attributes {dimension_semantics = [#tpu.dimension_semantics<arbitrary>], iteration_bounds = array<i64: 31>, scalar_prefetch = 0 : i64, scratch_operands = 0 : i64, tpu.core_type = #tpu.core_type<tc>, window_params = [{transform_indices = @transform_0, window_bounds = array<i64: 32, 32768>}, {transform_indices = @transform_1, window_bounds = array<i64: 32768>}]} {
    %get3A = arith.constant 0 : index
    %get3A_0 = arith.constant 0 : index
    %get3A_1 = vector.load %arg1[%get3A, %get3A_0] : memref<32x32768xf32, #tpu.memory_space<vmem>>, vector<32x32768xf32>
    %reduce_sum3A = arith.constant dense<0.000000e+00> : vector<32768xf32>
    %reduce_sum3A_2 = vector.multi_reduction <add>, %get3A_1, %reduce_sum3A [0] : vector<32x32768xf32> to vector<32768xf32>
    %mul3A = arith.constant 3.125000e-02 : f32
    %mul3A_3 = vector.broadcast %mul3A : f32 to vector<32768xf32>
    %mul3A_4 = arith.mulf %reduce_sum3A_2, %mul3A_3 : vector<32768xf32>
    %swap3A = arith.constant 0 : index
    %swap3A_5 = vector.load %arg2[%swap3A] : memref<32768xf32, #tpu.memory_space<vmem>>, vector<32768xf32>
    tpu.vector_store %arg2[%swap3A], %mul3A_4 {strides = array<i32>} : memref<32768xf32, #tpu.memory_space<vmem>>, vector<32768xf32>,
    return
  }
  func.func @transform_0(%arg0: i32) -> (i32, i32) {
    %c0_i32 = arith.constant 0 : i32
    %c0_i32_0 = arith.constant 0 : i32
    return %c0_i32, %arg0 : i32, i32
  }
  func.func @transform_1(%arg0: i32) -> i32 {
    %c0_i32 = arith.constant 0 : i32
    return %arg0 : i32
  }
}

</mosaic_0001>

<sc_bundles>
// kernel: kernel.4.cloned.1.call-start
scs
__scs_entry_jumppad:
0x0: {  	(pc) =	sbr.rel $0x88, $3  }
0x1: {  	(tag) =	ssettag $0x0;
	lr =	simm.s32 $0x1  }
0x2: {  	[smem:$0x3F9F] =	sst lr;
	_ =	strace $0xD0000000  }
0x3: {  	_ = 	snop  }
0x4: {  	_ = 	snop  }
0x5: {  	_ = 	snop  }
0x6: {  	_ = 	snop  }
0x7: {  	_ = 	snop  }
__scs_overlays_trampoline_lowered:
0x8: {  	[smem:$0x3FAE] =	sst s0  }
0x9: {  	[smem:$0x3FAF] =	sst s1  }
0xa: {  	[smem:$0x3FB0] =	sst s2  }
0xb: {  	[smem:$0x3FB1] =	sst s3  }
0xc: {  	[smem:$0x3FB2] =	sst s4  }
0xd: {  	[smem:$0x3FB3] =	sst s5  }
0xe: {  	[smem:$0x3FB4] =	sst s6  }
0xf: {  	[smem:$0x3FB5] =	sst s7  }
0x10: {  	[smem:$0x3FB6] =	sst s8  }
0x11: {  	[smem:$0x3FB7] =	sst s9;
	s0 =	simm.s32 @!p0 $0x0  }
0x12: {  	s1 =	sld [smem:$0x3F9D];
	s0 =	simm.s32 @p0 $0x1  }
0x13: {  	[smem:$0x3FB8] =	sst s0;
	s0 =	simm.s32 @!p1 $0x0  }
0x14: {  	s2 =	sld [smem:$0x3F9C];
	s0 =	simm.s32 @p1 $0x1  }
0x15: {  	[smem:$0x3FB9] =	sst s0;
	s0 =	simm.s32 @!p2 $0x0  }
0x16: {  	s3 =	sld [smem:$0x3FDB];
	s0 =	simm.s32 @p2 $0x1  }
0x17: {  	s4 =	simm.s32 $0x1BF5;
	[smem:$0x3FBB] =	sst s0  }
0x18: {  	s0 =	sld [smem:$0x3F9E];
	_ =	swait.ge [sflag:s4], $0x0  }
0x19: {  	s7 =	sld [smem:$0x3F9F]  }
0x1a: {  	s8 =	sadd.s32 $0xFFFFE003, lr  }
0x1b: {  	s9 =	sadd.s32 $0xFFFFFEF7, lr;
	s5 =	simm.s32 $0xFFFFFFFF;
	p2 =	slt.u32 s8, $0xFFFFF086  }
0x1c: {  	p1 =	slt.u32 s9, $0xF7A;
	s5 =	simm.s32 @!p2 $0x0  }
0x1d: {  	s5 =	simm.s32 @p1 $0x1;
	p0 =	seq.s32 s7, s2  }
0x1e: {  	s7 =	smul.u32 @!p0 $0xF7A, s2;
	p2 =	seq.s32 @!p0 s5, $0x0  }
0x1f: {  	s9 =	smul.u32 $0xF7A, s1;
	s8 =	simm.s32 @!p0 $0x1BF5;
	p2 =	por !p2, p0  }
0x20: {  	[sflag:s8] =	ssyncset.s32 @!p0 $0xFFFFF086;
	s6 =	sadd.s32 @!p0 s3, s7;
	s7 =	simm.s32 @!p0 $0x108  }
0x21: {  	s3 =	sadd.s32 s3, s9;
	s6 =	sadd.s32 @!p0 $0x88, s6;
	s7 =	simm.s32 @p2 $0x1082  }
0x22: {  	[simem:s7], [sflag:s8] =	dma.local @!p0 [hbm:s6], $0xF7A  }
0x23: {  	s9 =	sor.u32 $0xD0000000, s2;
	s6 =	simm.s32 $0x108;
	_ =	swait.ge @!p0 [sflag:s8], $0x0  }
0x24: {  	s3 =	sadd.s32 $0x88, s3;
	s6 =	simm.s32 @!p1 $0x1082;
	[sflag:s4] =	ssyncset.s32 $0xFFFFF086  }
0x25: {  	[simem:s6], [sflag:s4] =	dma.local [hbm:s3], $0xF7A  }
0x26: {  	[smem:$0x3F9F] =	sst s1;
	(tag) =	ssettag s2;
	_ =	strace s9  }
0x27: {  	s1 =	sld [smem:$0x3FAF]  }
0x28: {  	s2 =	sld [smem:$0x3FB0]  }
0x29: {  	s4 =	sld [smem:$0x3FB2]  }
0x2a: {  	p0 =	seq.s32 s5, $0x0;
	s5 =	sld [smem:$0x3FB3]  }
0x2b: {  	s6 =	sld [smem:$0x3FB4]  }
0x2c: {  	s7 =	sld [smem:$0x3FB5]  }
0x2d: {  	s3 =	simm.s32 $0x108;
	s8 =	sld [smem:$0x3FB6]  }
0x2e: {  	s3 =	simm.s32 @!p0 $0x1082;
	s9 =	sld [smem:$0x3FB7]  }
0x2f: {  	lr =	sadd.s32 s0, s3;
	s0 =	sld [smem:$0x3FAE]  }
0x30: {  	s3 =	sld [smem:$0x3FB1]  }
0x31: {  	[smem:$0x3FBA] =	sst s10  }
0x32: {  	s10 =	sld [smem:$0x3FB8];
	_ =	sdelay $0x3  }
0x33: {  	p0 =	seq.s32 s10, $0x1;
	s10 =	sld [smem:$0x3FBA];
	_ =	sdelay $0x3  }
0x34: {  	[smem:$0x3FBA] =	sst s10  }
0x35: {  	s10 =	sld [smem:$0x3FB9];
	_ =	sdelay $0x3  }
0x36: {  	p1 =	seq.s32 s10, $0x1;
	s10 =	sld [smem:$0x3FBA];
	_ =	sdelay $0x3  }
0x37: {  	[smem:$0x3FBA] =	sst s10  }
0x38: {  	s10 =	sld [smem:$0x3FBB]  }
0x39: {  	_ = 	snop;
	(pc) =	sbr.ind lr, $3  }
0x3a: {  	_ = 	snop  }
0x3b: {  	_ = 	snop  }
0x3c: {  	p2 =	seq.s32 s10, $0x1;
	s10 =	sld [smem:$0x3FBA]  }
0x3d: {  	_ =	shalt  }
0x3e: {  	_ =	shalt  }
0x3f: {  	_ =	shalt  }
0x40: {  	_ =	shalt  }
0x41: {  	_ =	shalt  }
0x42: {  	_ =	shalt  }
0x43: {  	_ =	shalt  }
0x44: {  	_ =	shalt  }
0x45: {  	_ =	shalt  }
0x46: {  	_ =	shalt  }
0x47: {  	_ =	shalt  }
0x48: {  	_ =	shalt  }
0x49: {  	_ =	shalt  }
0x4a: {  	_ =	shalt  }
0x4b: {  	_ =	shalt  }
0x4c: {  	_ =	shalt  }
0x4d: {  	_ =	shalt  }
0x4e: {  	_ =	shalt  }
0x4f: {  	_ =	shalt  }
0x50: {  	_ =	shalt  }
0x51: {  	_ =	shalt  }
0x52: {  	_ =	shalt  }
0x53: {  	_ =	shalt  }
0x54: {  	_ =	shalt  }
0x55: {  	_ =	shalt  }
0x56: {  	_ =	shalt  }
0x57: {  	_ =	shalt  }
0x58: {  	_ =	shalt  }
0x59: {  	_ =	shalt  }
0x5a: {  	_ =	shalt  }
0x5b: {  	_ =	shalt  }
0x5c: {  	_ =	shalt  }
0x5d: {  	_ =	shalt  }
0x5e: {  	_ =	shalt  }
0x5f: {  	_ =	shalt  }
0x60: {  	_ =	shalt  }
0x61: {  	_ =	shalt  }
0x62: {  	_ =	shalt  }
0x63: {  	_ =	shalt  }
0x64: {  	_ =	shalt  }
0x65: {  	_ =	shalt  }
0x66: {  	_ =	shalt  }
0x67: {  	_ =	shalt  }
0x68: {  	_ =	shalt  }
0x69: {  	_ =	shalt  }
0x6a: {  	_ =	shalt  }
0x6b: {  	_ =	shalt  }
0x6c: {  	_ =	shalt  }
0x6d: {  	_ =	shalt  }
0x6e: {  	_ =	shalt  }
0x6f: {  	_ =	shalt  }
0x70: {  	_ =	shalt  }
0x71: {  	_ =	shalt  }
0x72: {  	_ =	shalt  }
0x73: {  	_ =	shalt  }
0x74: {  	_ =	shalt  }
0x75: {  	_ =	shalt  }
0x76: {  	_ =	shalt  }
0x77: {  	_ =	shalt  }
0x78: {  	_ =	shalt  }
0x79: {  	_ =	shalt  }
0x7a: {  	_ =	shalt  }
0x7b: {  	_ =	shalt  }
0x7c: {  	_ =	shalt  }
0x7d: {  	_ =	shalt  }
0x7e: {  	_ =	shalt  }
0x7f: {  	_ =	shalt  }
0x80: {  	_ =	shalt  }
0x81: {  	_ =	shalt  }
0x82: {  	_ =	shalt  }
0x83: {  	_ =	shalt  }
0x84: {  	_ =	shalt  }
0x85: {  	_ =	shalt  }
0x86: {  	_ =	shalt  }
0x87: {  	_ =	shalt  }
.Lfunc_end0:
.L_simem_size_0:
called_computation_lowered:
.L_overlay_start_0:
0x88: {  	s2 =	sld [smem:$0x3FD9]  }
0x89: {  	s3 =	sld [smem:$0x3FFE];
	_ =	sdelay $0x1  }
0x8a: {  	s1 =	srdreg.scid  }
0x8b: {  	s0 =	sand.u32 $0x1, s1  }
0x8c: {  	s17 =	sshll.u32 s0, $0xA;
	s2 =	sadd.s32 s3, s2  }
0x8d: {  	s2 =	sadd.s32 s2, s17  }
0x8e: {  	[smem:$0x3FC6] =	sst s2  }
0x8f: {  	_ = 	snop  }
0x90: {  	s2 =	sld [smem:$0x3FD0];
	(tm) =	ssettm $0x1  }
0x91: {  	s18 =	sld [smem:$0x3FFB];
	_ =	sdelay $0x3  }
0x92: {  	_ =	strace s18  }
0x93: {  	s3 =	sld [smem:$0x3FFC];
	_ =	sdelay $0x3  }
0x94: {  	_ =	strace s3  }
0x95: {  	s3 =	sld [smem:$0x3FFD];
	_ =	sdelay $0x3  }
0x96: {  	_ =	strace s3  }
0x97: {  	_ =	strace $0x8FFFFFFF  }
0x98: {  	s19 =	sld [smem:$0x3FDB];
	_ =	sdelay $0x1  }
0x99: {  	s4 =	simm.s32 $_scs_section_size  }
0x9a: {  	s5 =	simm.s32 $_size__tile_overlayer_lowered;
	s6 =	simm.s32 $_tile_overlayer_lowered  }
0x9b: {  	s22 =	simm.s32 $0x1BFF;
	s21 =	sshll.u32 s6, $0x1;
	s3 =	sadd.s32 s4, s19  }
0x9c: {  	s7 =	simm.s32 $0x0;
	s20 =	sshll.u32 s5, $0x1;
	s5 =	sadd.s32 s21, s3  }
0x9d: {  	[timem:s7], [sflag:s22] =	dma.local [hbm:s5], s20  }
0x9e: {  	_ =	swait.ge [sflag:s22], s20  }
0x9f: {  	s4 =	ssub.s32 $0x0, s20;
	[sflag:s22] =	ssyncset.done $0x0  }
0xa0: {  	[sflag:s22] =	ssyncadd.s32 s4;
	_ =	sdelay $0x1  }
0xa1: {  	s23 =	simm.s32 $0x1B8B  }
0xa2: {  	_ =	swait.ge [sflag:s23], $0x1  }
0xa3: {  	[sflag:s23] =	ssyncset.done $0x0  }
0xa4: {  	s25 =	simm.s32 $0x1B8E;
	s24 =	sld [smem:$0x3FFE];
	[sflag:s23] =	ssyncadd.s32 $0xFFFFFFFF  }
0xa5: {  	s26 =	simm.s32 $execute0_lowered;
	[smem:$0x3FD2] =	sst s25  }
0xa6: {  	s5 =	sshll.u32 s26, $0x1;
	_ =	strace $0x80000046;
	[dreg:$0x1] =	wrdreg $0xFFFFFFFF  }
0xa7: {  	s28 =	simm.s32 $_size_execute0_lowered;
	s3 =	sadd.s32 s3, s5;
	[dreg:$0x0] =	wrdreg $0x0  }
0xa8: {  	s5 =	sshll.u32 s28, $0x1;
	[dreg:$0x2] =	wrdreg s3  }
0xa9: {  	[dreg:$0x3] =	wrdreg s5  }
0xaa: {  	[dreg:$0x4] =	wrdreg $0xC0  }
0xab: {  	_ =	task [dreg:s7], $0x5FFFF  }
0xac: {  	[dreg:$0x1] =	wrdreg $0xFFFFFFFF  }
0xad: {  	[dreg:$0x0] =	wrdreg $0x60  }
0xae: {  	[dreg:$0x2] =	wrdreg s24  }
0xaf: {  	[dreg:$0x3] =	wrdreg s2  }
0xb0: {  	[dreg:$0x4] =	wrdreg $0x9  }
0xb1: {  	_ =	task.clear_ibuf [dreg:s7], $0x5FFFF;
	_ =	strace $0x90000046  }
0xb2: {  	s29 =	simm.s32 $0x9;
	_ =	strace $0x80000048  }
0xb3: {  	_ =	swait.ge [sflag:s29], $0x1  }
0xb4: {  	[sflag:s29] =	ssyncadd.s32 $0xFFFFFFFF  }
0xb5: {  	_ =	strace $0x90000048  }
0xb6: {  	_ =	sfence  }
0xb7: {  	s30 =	sld [smem:$0x0];
	_ =	sdelay $0x2  }
0xb8: {  	s31 =	sshll.u32 s1, $0xD;
	s1 =	sshrl.u32 s1, $0x2  }
0xb9: {  	s3 =	sand.u32 $0x4000, s31;
	s1 =	sadd.s32 s1, s30  }
0xba: {  	s0 =	sor.u32 s3, s0;
	s1 =	sshll.u32 s1, $0x11  }
0xbb: {  	s0 =	sor.u32 s1, s0  }
0xbc: {  	s0 =	sadd.s32 $0x8F2B, s0  }
0xbd: {  	[sflag:s0] =	ssyncadd.remote.s32 $0x1  }
0xbe: {  	_ =	sfence.sel $0xFFFF  }
0xbf: {  	[dreg:$0x0] =	wrdreg $0xFFFFFFFF;
	(pc) =	sbr.abs _section_cstart, $3  }
0xc0: {  	[dreg:$0x1] =	wrdreg $0xFFFFFFFF  }
0xc1: {  	_ =	task.clear_ibuf [dreg:s7], $0x2FFFF;
	_ =	strace $0x9FFFFFFF  }
0xc2: {  	(tm) =	ssettm $0x7FFFFFFF  }
0xc3: {  	_ =	shalt  }
tec
execute0_lowered:
.L_overlay_start_1:
0x0: {  	(tag) =	ssettag $0x1  }
0x1: {  	s4 =	rddreg [dreg:$0x0];
	s1 =	srdreg.scid  }
0x2: {  	s0 =	stileid.u32;
	s5 =	rddreg [dreg:$0x1]  }
0x3: {  	s2 =	simm.s32 $0x0;
	s9 =	simm.s32 $0x1;
	s10 =	simm.s32 $0x6400  }
0x4: {  	s11 =	simm.s32 $0x0;
	s3 =	sand.u32 $0x1, s1;
	s6 =	sshll.u32 s0, $0x1  }
0x5: {  	s1 =	rddreg [dreg:$0x2];
	s6 =	sor.u32 s3, s6;
	s7 =	ssub.s32 $0x2, s3  }
0x6: {  	[smem:$0x7FF] =	sst s2;
	s6 =	smul.u32 $0xC80, s6;
	s31 =	sshrl.u32 s7, $0x1  }
0x7: {  	_ =	strace $0x80000047;
	s3 =	sadd.s32 $0x600, s4;
	s7 =	ssub.s32 s7, s31  }
0x8: {  	s8 =	sadd.s32 s6, s4;
	s4 =	sadd.s32 s5, s6;
	s6 =	smax.u32 s7, $0x1  }
0x9: {  	s7 =	simm.s32 $0x2;
	s5 =	sadd.s32 $0x1F000, s8;
	s8 =	simm.s32 $0x80  }
.LBB2_1:
0xa: {  	[tilespmem:s2], [sflag:$0x2] =	stream.linear.gather [hbm4b:s4+s2], $0x6400, $0x38;
	[tilespmem:$0xC800] =	vst v63  }
0xb: {  	_ =	swait.ge [sflag:s7], $0x6400  }
0xc: {  	[sflag:s7] =	ssyncset.done $0x0  }
0xd: {  	s12 =	simm.s32 $0x0;
	s13 =	simm.s32 $0x6400;
	[sflag:s7] =	ssyncadd.s32 $0xFFFF9C00  }
0xe: {  	[tilespmem:s13], [sflag:$0x1] =	stream.indirect.gather [hbm4b:s3+s8], $0x1, s12, s8, $0xb8;
	[tilespmem:$0xC800] =	vst v63  }
0xf: {  	s30 =	simm.s32 $0x6480;
	s31 =	simm.s32 $0x80  }
0x10: {  	[tilespmem:s30], [sflag:$0x1] =	stream.indirect.gather [hbm4b:s3+s8], $0x1, s31, s8, $0xb8;
	[tilespmem:$0xC800] =	vst v63  }
0x11: {  	s14 =	simm.s32 $0x100;
	s13 =	simm.s32 $0x6500  }
0x12: {  	[tilespmem:s13], [sflag:$0x1] =	stream.indirect.gather [hbm4b:s3+s8], $0x1, s14, s8, $0xb8;
	[tilespmem:$0xC800] =	vst v63  }
0x13: {  	s15 =	simm.s32 $0x6580;
	s16 =	simm.s32 $0x180  }
0x14: {  	[tilespmem:s15], [sflag:$0x1] =	stream.indirect.gather [hbm4b:s3+s8], $0x1, s16, s8, $0xb8;
	[tilespmem:$0xC800] =	vst v63  }
0x15: {  	s17 =	simm.s32 $0x6600;
	s18 =	simm.s32 $0x200  }
0x16: {  	[tilespmem:s17], [sflag:$0x1] =	stream.indirect.gather [hbm4b:s3+s8], $0x1, s18, s8, $0xb8;
	[tilespmem:$0xC800] =	vst v63  }
0x17: {  	s19 =	simm.s32 $0x6680;
	s20 =	simm.s32 $0x280  }
0x18: {  	[tilespmem:s19], [sflag:$0x1] =	stream.indirect.gather [hbm4b:s3+s8], $0x1, s20, s8, $0xb8;
	[tilespmem:$0xC800] =	vst v63  }
0x19: {  	s21 =	simm.s32 $0x6700;
	s22 =	simm.s32 $0x300  }
0x1a: {  	[tilespmem:s21], [sflag:$0x1] =	stream.indirect.gather [hbm4b:s3+s8], $0x1, s22, s8, $0xb8;
	[tilespmem:$0xC800] =	vst v63  }
0x1b: {  	s23 =	simm.s32 $0x6780;
	s24 =	simm.s32 $0x380  }
0x1c: {  	[tilespmem:s23], [sflag:$0x1] =	stream.indirect.gather [hbm4b:s3+s8], $0x1, s24, s8, $0xb8;
	[tilespmem:$0xC800] =	vst v63  }
0x1d: {  	s25 =	simm.s32 $0x6800;
	s26 =	simm.s32 $0x400  }
0x1e: {  	[tilespmem:s25], [sflag:$0x1] =	stream.indirect.gather [hbm4b:s3+s8], $0x1, s26, s8, $0xb8;
	[tilespmem:$0xC800] =	vst v63  }
0x1f: {  	s28 =	simm.s32 $0x6880;
	s29 =	simm.s32 $0x480  }
0x20: {  	[tilespmem:s28], [sflag:$0x1] =	stream.indirect.gather [hbm4b:s3+s8], $0x1, s29, s8, $0xb8;
	[tilespmem:$0xC800] =	vst v63  }
0x21: {  	s30 =	simm.s32 $0x6900;
	s31 =	simm.s32 $0x500  }
0x22: {  	[tilespmem:s30], [sflag:$0x1] =	stream.indirect.gather [hbm4b:s3+s8], $0x1, s31, s8, $0xb8;
	[tilespmem:$0xC800] =	vst v63  }
0x23: {  	s13 =	simm.s32 $0x6980;
	s14 =	simm.s32 $0x580  }
0x24: {  	[tilespmem:s13], [sflag:$0x1] =	stream.indirect.gather [hbm4b:s3+s8], $0x1, s14, s8, $0xb8;
	[tilespmem:$0xC800] =	vst v63  }
0x25: {  	s15 =	simm.s32 $0x6A00;
	s16 =	simm.s32 $0x600  }
0x26: {  	[tilespmem:s15], [sflag:$0x1] =	stream.indirect.gather [hbm4b:s3+s8], $0x1, s16, s8, $0xb8;
	[tilespmem:$0xC800] =	vst v63  }
0x27: {  	s17 =	simm.s32 $0x6A80;
	s18 =	simm.s32 $0x680  }
0x28: {  	[tilespmem:s17], [sflag:$0x1] =	stream.indirect.gather [hbm4b:s3+s8], $0x1, s18, s8, $0xb8;
	[tilespmem:$0xC800] =	vst v63  }
0x29: {  	s19 =	simm.s32 $0x6B00;
	s20 =	simm.s32 $0x700  }
0x2a: {  	[tilespmem:s19], [sflag:$0x1] =	stream.indirect.gather [hbm4b:s3+s8], $0x1, s20, s8, $0xb8;
	[tilespmem:$0xC800] =	vst v63  }
0x2b: {  	s21 =	simm.s32 $0x6B80;
	s22 =	simm.s32 $0x780  }
0x2c: {  	[tilespmem:s21], [sflag:$0x1] =	stream.indirect.gather [hbm4b:s3+s8], $0x1, s22, s8, $0xb8;
	[tilespmem:$0xC800] =	vst v63  }
0x2d: {  	s23 =	simm.s32 $0x6C00;
	s24 =	simm.s32 $0x800  }
0x2e: {  	[tilespmem:s23], [sflag:$0x1] =	stream.indirect.gather [hbm4b:s3+s8], $0x1, s24, s8, $0xb8;
	[tilespmem:$0xC800] =	vst v63  }
0x2f: {  	s25 =	simm.s32 $0x6C80;
	s26 =	simm.s32 $0x880  }
0x30: {  	[tilespmem:s25], [sflag:$0x1] =	stream.indirect.gather [hbm4b:s3+s8], $0x1, s26, s8, $0xb8;
	[tilespmem:$0xC800] =	vst v63  }
0x31: {  	s28 =	simm.s32 $0x6D00;
	s29 =	simm.s32 $0x900  }
0x32: {  	[tilespmem:s28], [sflag:$0x1] =	stream.indirect.gather [hbm4b:s3+s8], $0x1, s29, s8, $0xb8;
	[tilespmem:$0xC800] =	vst v63  }
0x33: {  	s30 =	simm.s32 $0x6D80;
	s31 =	simm.s32 $0x980  }
0x34: {  	[tilespmem:s30], [sflag:$0x1] =	stream.indirect.gather [hbm4b:s3+s8], $0x1, s31, s8, $0xb8;
	[tilespmem:$0xC800] =	vst v63  }
0x35: {  	_ =	swait.ge [sflag:s9], $0x80  }
0x36: {  	[sflag:s9] =	ssyncset.done $0x0  }
0x37: {  	[sflag:s9] =	ssyncadd.s32 $0xFFFFFF80  }
0x38: {  	_ =	swait.ge [sflag:s9], $0x80  }
0x39: {  	[sflag:s9] =	ssyncset.done $0x0  }
0x3a: {  	[sflag:s9] =	ssyncadd.s32 $0xFFFFFF80  }
0x3b: {  	_ =	swait.ge [sflag:s9], $0x80  }
0x3c: {  	[sflag:s9] =	ssyncset.done $0x0  }
0x3d: {  	[sflag:s9] =	ssyncadd.s32 $0xFFFFFF80  }
0x3e: {  	_ =	swait.ge [sflag:s9], $0x80  }
0x3f: {  	[sflag:s9] =	ssyncset.done $0x0  }
0x40: {  	[sflag:s9] =	ssyncadd.s32 $0xFFFFFF80  }
0x41: {  	_ =	swait.ge [sflag:s9], $0x80  }
0x42: {  	[sflag:s9] =	ssyncset.done $0x0  }
0x43: {  	[sflag:s9] =	ssyncadd.s32 $0xFFFFFF80  }
0x44: {  	_ =	swait.ge [sflag:s9], $0x80  }
0x45: {  	[sflag:s9] =	ssyncset.done $0x0  }
0x46: {  	[sflag:s9] =	ssyncadd.s32 $0xFFFFFF80  }
0x47: {  	_ =	swait.ge [sflag:s9], $0x80  }
0x48: {  	[sflag:s9] =	ssyncset.done $0x0  }
0x49: {  	[sflag:s9] =	ssyncadd.s32 $0xFFFFFF80  }
0x4a: {  	_ =	swait.ge [sflag:s9], $0x80  }
0x4b: {  	[sflag:s9] =	ssyncset.done $0x0  }
0x4c: {  	[sflag:s9] =	ssyncadd.s32 $0xFFFFFF80  }
0x4d: {  	_ =	swait.ge [sflag:s9], $0x80  }
0x4e: {  	[sflag:s9] =	ssyncset.done $0x0  }
0x4f: {  	[sflag:s9] =	ssyncadd.s32 $0xFFFFFF80  }
0x50: {  	_ =	swait.ge [sflag:s9], $0x80  }
0x51: {  	[sflag:s9] =	ssyncset.done $0x0  }
0x52: {  	[sflag:s9] =	ssyncadd.s32 $0xFFFFFF80  }
0x53: {  	_ =	swait.ge [sflag:s9], $0x80  }
0x54: {  	[sflag:s9] =	ssyncset.done $0x0  }
0x55: {  	[sflag:s9] =	ssyncadd.s32 $0xFFFFFF80  }
0x56: {  	_ =	swait.ge [sflag:s9], $0x80  }
0x57: {  	[sflag:s9] =	ssyncset.done $0x0  }
0x58: {  	[sflag:s9] =	ssyncadd.s32 $0xFFFFFF80  }
0x59: {  	_ =	swait.ge [sflag:s9], $0x80  }
0x5a: {  	[sflag:s9] =	ssyncset.done $0x0  }
0x5b: {  	[sflag:s9] =	ssyncadd.s32 $0xFFFFFF80  }
0x5c: {  	_ =	swait.ge [sflag:s9], $0x80  }
0x5d: {  	[sflag:s9] =	ssyncset.done $0x0  }
0x5e: {  	[sflag:s9] =	ssyncadd.s32 $0xFFFFFF80  }
0x5f: {  	_ =	swait.ge [sflag:s9], $0x80  }
0x60: {  	[sflag:s9] =	ssyncset.done $0x0  }
0x61: {  	[sflag:s9] =	ssyncadd.s32 $0xFFFFFF80  }
0x62: {  	_ =	swait.ge [sflag:s9], $0x80  }
0x63: {  	[sflag:s9] =	ssyncset.done $0x0  }
0x64: {  	[sflag:s9] =	ssyncadd.s32 $0xFFFFFF80  }
0x65: {  	_ =	swait.ge [sflag:s9], $0x80  }
0x66: {  	[sflag:s9] =	ssyncset.done $0x0  }
0x67: {  	[sflag:s9] =	ssyncadd.s32 $0xFFFFFF80  }
0x68: {  	_ =	swait.ge [sflag:s9], $0x80  }
0x69: {  	[sflag:s9] =	ssyncset.done $0x0  }
0x6a: {  	[sflag:s9] =	ssyncadd.s32 $0xFFFFFF80  }
0x6b: {  	_ =	swait.ge [sflag:s9], $0x80  }
0x6c: {  	[sflag:s9] =	ssyncset.done $0x0  }
0x6d: {  	[sflag:s9] =	ssyncadd.s32 $0xFFFFFF80  }
0x6e: {  	_ =	swait.ge [sflag:s9], $0x80  }
0x6f: {  	s14 =	simm.s32 $0xA00;
	s15 =	simm.s32 $0x5000;
	[sflag:s9] =	ssyncset.done $0x0  }
.LBB2_2:
0x70: {  	s16 =	sadd.s32 $0x6400, s14  }
0x71: {  	[sflag:s9] =	ssyncadd.s32 $0xFFFFFF80;
	s13 =	smov.u32 s15;
	s12 =	sadd.s32 $0x2800, s15  }
0x72: {  	[tilespmem:s16], [sflag:$0x1] =	stream.indirect.gather [hbm4b:s3+s8], $0x1, s14, s8, $0xb8;
	[tilespmem:$0xC800] =	vst v63  }
0x73: {  	p0 =	sne.s32 s15, $0x16800;
	s15 =	sadd.s32 $0x6480, s14;
	s16 =	sadd.s32 $0x80, s14  }
0x74: {  	[tilespmem:s15], [sflag:$0x1] =	stream.indirect.gather [hbm4b:s3+s8], $0x1, s16, s8, $0xb8;
	[tilespmem:$0xC800] =	vst v63  }
0x75: {  	s15 =	sadd.s32 $0x6500, s14;
	s16 =	sadd.s32 $0x100, s14  }
0x76: {  	[tilespmem:s15], [sflag:$0x1] =	stream.indirect.gather [hbm4b:s3+s8], $0x1, s16, s8, $0xb8;
	[tilespmem:$0xC800] =	vst v63  }
0x77: {  	s15 =	sadd.s32 $0x6580, s14;
	s16 =	sadd.s32 $0x180, s14  }
0x78: {  	[tilespmem:s15], [sflag:$0x1] =	stream.indirect.gather [hbm4b:s3+s8], $0x1, s16, s8, $0xb8;
	[tilespmem:$0xC800] =	vst v63  }
0x79: {  	s15 =	sadd.s32 $0x6600, s14;
	s16 =	sadd.s32 $0x200, s14  }
0x7a: {  	[tilespmem:s15], [sflag:$0x1] =	stream.indirect.gather [hbm4b:s3+s8], $0x1, s16, s8, $0xb8;
	[tilespmem:$0xC800] =	vst v63  }
0x7b: {  	s15 =	sadd.s32 $0x6680, s14;
	s16 =	sadd.s32 $0x280, s14  }
0x7c: {  	[tilespmem:s15], [sflag:$0x1] =	stream.indirect.gather [hbm4b:s3+s8], $0x1, s16, s8, $0xb8;
	[tilespmem:$0xC800] =	vst v63  }
0x7d: {  	s15 =	sadd.s32 $0x6700, s14;
	s16 =	sadd.s32 $0x300, s14  }
0x7e: {  	[tilespmem:s15], [sflag:$0x1] =	stream.indirect.gather [hbm4b:s3+s8], $0x1, s16, s8, $0xb8;
	[tilespmem:$0xC800] =	vst v63  }
0x7f: {  	s15 =	sadd.s32 $0x6780, s14;
	s16 =	sadd.s32 $0x380, s14  }
0x80: {  	[tilespmem:s15], [sflag:$0x1] =	stream.indirect.gather [hbm4b:s3+s8], $0x1, s16, s8, $0xb8;
	[tilespmem:$0xC800] =	vst v63  }
0x81: {  	s15 =	sadd.s32 $0x6800, s14;
	s16 =	sadd.s32 $0x400, s14  }
0x82: {  	[tilespmem:s15], [sflag:$0x1] =	stream.indirect.gather [hbm4b:s3+s8], $0x1, s16, s8, $0xb8;
	[tilespmem:$0xC800] =	vst v63  }
0x83: {  	s15 =	sadd.s32 $0x6880, s14;
	s16 =	sadd.s32 $0x480, s14  }
0x84: {  	[tilespmem:s15], [sflag:$0x1] =	stream.indirect.gather [hbm4b:s3+s8], $0x1, s16, s8, $0xb8;
	[tilespmem:$0xC800] =	vst v63  }
0x85: {  	s15 =	sadd.s32 $0x6900, s14;
	s16 =	sadd.s32 $0x500, s14  }
0x86: {  	[tilespmem:s15], [sflag:$0x1] =	stream.indirect.gather [hbm4b:s3+s8], $0x1, s16, s8, $0xb8;
	[tilespmem:$0xC800] =	vst v63  }
0x87: {  	s15 =	sadd.s32 $0x6980, s14;
	s16 =	sadd.s32 $0x580, s14  }
0x88: {  	[tilespmem:s15], [sflag:$0x1] =	stream.indirect.gather [hbm4b:s3+s8], $0x1, s16, s8, $0xb8;
	[tilespmem:$0xC800] =	vst v63  }
0x89: {  	s15 =	sadd.s32 $0x6A00, s14;
	s16 =	sadd.s32 $0x600, s14  }
0x8a: {  	[tilespmem:s15], [sflag:$0x1] =	stream.indirect.gather [hbm4b:s3+s8], $0x1, s16, s8, $0xb8;
	[tilespmem:$0xC800] =	vst v63  }
0x8b: {  	s15 =	sadd.s32 $0x6A80, s14;
	s16 =	sadd.s32 $0x680, s14  }
0x8c: {  	[tilespmem:s15], [sflag:$0x1] =	stream.indirect.gather [hbm4b:s3+s8], $0x1, s16, s8, $0xb8;
	[tilespmem:$0xC800] =	vst v63  }
0x8d: {  	s15 =	sadd.s32 $0x6B00, s14;
	s16 =	sadd.s32 $0x700, s14  }
0x8e: {  	[tilespmem:s15], [sflag:$0x1] =	stream.indirect.gather [hbm4b:s3+s8], $0x1, s16, s8, $0xb8;
	[tilespmem:$0xC800] =	vst v63  }
0x8f: {  	s15 =	sadd.s32 $0x6B80, s14;
	s16 =	sadd.s32 $0x780, s14  }
0x90: {  	[tilespmem:s15], [sflag:$0x1] =	stream.indirect.gather [hbm4b:s3+s8], $0x1, s16, s8, $0xb8;
	[tilespmem:$0xC800] =	vst v63  }
0x91: {  	s15 =	sadd.s32 $0x6C00, s14;
	s16 =	sadd.s32 $0x800, s14  }
0x92: {  	[tilespmem:s15], [sflag:$0x1] =	stream.indirect.gather [hbm4b:s3+s8], $0x1, s16, s8, $0xb8;
	[tilespmem:$0xC800] =	vst v63  }
0x93: {  	s15 =	sadd.s32 $0x6C80, s14;
	s16 =	sadd.s32 $0x880, s14  }
0x94: {  	[tilespmem:s15], [sflag:$0x1] =	stream.indirect.gather [hbm4b:s3+s8], $0x1, s16, s8, $0xb8;
	[tilespmem:$0xC800] =	vst v63  }
0x95: {  	s15 =	sadd.s32 $0x6D00, s14;
	s16 =	sadd.s32 $0x900, s14  }
0x96: {  	[tilespmem:s15], [sflag:$0x1] =	stream.indirect.gather [hbm4b:s3+s8], $0x1, s16, s8, $0xb8;
	[tilespmem:$0xC800] =	vst v63  }
0x97: {  	s15 =	sadd.s32 $0x6D80, s14;
	s14 =	sadd.s32 $0x980, s14  }
0x98: {  	[tilespmem:s15], [sflag:$0x1] =	stream.indirect.gather [hbm4b:s3+s8], $0x1, s14, s8, $0xb8;
	[tilespmem:$0xC800] =	vst v63  }
0x99: {  	_ =	swait.ge [sflag:s9], $0x80  }
0x9a: {  	[sflag:s9] =	ssyncset.done $0x0  }
0x9b: {  	[sflag:s9] =	ssyncadd.s32 $0xFFFFFF80  }
0x9c: {  	_ =	swait.ge [sflag:s9], $0x80  }
0x9d: {  	[sflag:s9] =	ssyncset.done $0x0  }
0x9e: {  	[sflag:s9] =	ssyncadd.s32 $0xFFFFFF80  }
0x9f: {  	_ =	swait.ge [sflag:s9], $0x80  }
0xa0: {  	[sflag:s9] =	ssyncset.done $0x0  }
0xa1: {  	[sflag:s9] =	ssyncadd.s32 $0xFFFFFF80  }
0xa2: {  	_ =	swait.ge [sflag:s9], $0x80  }
0xa3: {  	[sflag:s9] =	ssyncset.done $0x0  }
0xa4: {  	[sflag:s9] =	ssyncadd.s32 $0xFFFFFF80  }
0xa5: {  	_ =	swait.ge [sflag:s9], $0x80  }
0xa6: {  	[sflag:s9] =	ssyncset.done $0x0  }
0xa7: {  	[sflag:s9] =	ssyncadd.s32 $0xFFFFFF80  }
0xa8: {  	_ =	swait.ge [sflag:s9], $0x80  }
0xa9: {  	[sflag:s9] =	ssyncset.done $0x0  }
0xaa: {  	[sflag:s9] =	ssyncadd.s32 $0xFFFFFF80  }
0xab: {  	_ =	swait.ge [sflag:s9], $0x80  }
0xac: {  	[sflag:s9] =	ssyncset.done $0x0  }
0xad: {  	[sflag:s9] =	ssyncadd.s32 $0xFFFFFF80  }
0xae: {  	_ =	swait.ge [sflag:s9], $0x80  }
0xaf: {  	[sflag:s9] =	ssyncset.done $0x0  }
0xb0: {  	[sflag:s9] =	ssyncadd.s32 $0xFFFFFF80  }
0xb1: {  	_ =	swait.ge [sflag:s9], $0x80  }
0xb2: {  	[sflag:s9] =	ssyncset.done $0x0  }
0xb3: {  	[sflag:s9] =	ssyncadd.s32 $0xFFFFFF80  }
0xb4: {  	_ =	swait.ge [sflag:s9], $0x80  }
0xb5: {  	[sflag:s9] =	ssyncset.done $0x0  }
0xb6: {  	[sflag:s9] =	ssyncadd.s32 $0xFFFFFF80  }
0xb7: {  	_ =	swait.ge [sflag:s9], $0x80  }
0xb8: {  	[sflag:s9] =	ssyncset.done $0x0  }
0xb9: {  	[sflag:s9] =	ssyncadd.s32 $0xFFFFFF80  }
0xba: {  	_ =	swait.ge [sflag:s9], $0x80  }
0xbb: {  	[sflag:s9] =	ssyncset.done $0x0  }
0xbc: {  	[sflag:s9] =	ssyncadd.s32 $0xFFFFFF80  }
0xbd: {  	_ =	swait.ge [sflag:s9], $0x80  }
0xbe: {  	[sflag:s9] =	ssyncset.done $0x0  }
0xbf: {  	[sflag:s9] =	ssyncadd.s32 $0xFFFFFF80  }
0xc0: {  	_ =	swait.ge [sflag:s9], $0x80  }
0xc1: {  	[sflag:s9] =	ssyncset.done $0x0  }
0xc2: {  	[sflag:s9] =	ssyncadd.s32 $0xFFFFFF80  }
0xc3: {  	_ =	swait.ge [sflag:s9], $0x80  }
0xc4: {  	[sflag:s9] =	ssyncset.done $0x0  }
0xc5: {  	[sflag:s9] =	ssyncadd.s32 $0xFFFFFF80  }
0xc6: {  	_ =	swait.ge [sflag:s9], $0x80  }
0xc7: {  	[sflag:s9] =	ssyncset.done $0x0  }
0xc8: {  	[sflag:s9] =	ssyncadd.s32 $0xFFFFFF80  }
0xc9: {  	_ =	swait.ge [sflag:s9], $0x80  }
0xca: {  	[sflag:s9] =	ssyncset.done $0x0  }
0xcb: {  	[sflag:s9] =	ssyncadd.s32 $0xFFFFFF80  }
0xcc: {  	_ =	swait.ge [sflag:s9], $0x80  }
0xcd: {  	[sflag:s9] =	ssyncset.done $0x0  }
0xce: {  	[sflag:s9] =	ssyncadd.s32 $0xFFFFFF80  }
.Ltmp0:
0xcf: {  	_ =	swait.ge [sflag:s9], $0x80;
	(pc) =	sbr.rel @p0 .LBB2_2-.Ltmp0, $4  }
0xd0: {  	[sflag:s9] =	ssyncset.done $0x0  }
0xd1: {  	[sflag:s9] =	ssyncadd.s32 $0xFFFFFF80  }
0xd2: {  	_ =	swait.ge [sflag:s9], $0x80  }
0xd3: {  	s14 =	sshra.s32 s13, $0x2;
	s15 =	smov.u32 s12;
	[sflag:s9] =	ssyncset.done $0x0  }
0xd4: {  	s12 =	sadd.s32 $0x6400, s14;
	[sflag:s9] =	ssyncadd.s32 $0xFFFFFF80  }
0xd5: {  	[tilespmem:s12], [sflag:$0x1] =	stream.indirect.gather [hbm4b:s3+s8], $0x1, s14, s8, $0xb8;
	[tilespmem:$0xC800] =	vst v63  }
0xd6: {  	s26 =	sadd.s32 $0x6480, s14;
	s13 =	sadd.s32 $0x80, s14  }
0xd7: {  	[tilespmem:s26], [sflag:$0x1] =	stream.indirect.gather [hbm4b:s3+s8], $0x1, s13, s8, $0xb8;
	[tilespmem:$0xC800] =	vst v63  }
0xd8: {  	s28 =	sadd.s32 $0x6500, s14;
	s29 =	sadd.s32 $0x100, s14  }
0xd9: {  	[tilespmem:s28], [sflag:$0x1] =	stream.indirect.gather [hbm4b:s3+s8], $0x1, s29, s8, $0xb8;
	[tilespmem:$0xC800] =	vst v63  }
0xda: {  	s30 =	sadd.s32 $0x6580, s14;
	s31 =	sadd.s32 $0x180, s14  }
0xdb: {  	[tilespmem:s30], [sflag:$0x1] =	stream.indirect.gather [hbm4b:s3+s8], $0x1, s31, s8, $0xb8;
	[tilespmem:$0xC800] =	vst v63  }
0xdc: {  	s15 =	sadd.s32 $0x6600, s14;
	s16 =	sadd.s32 $0x200, s14  }
0xdd: {  	[tilespmem:s15], [sflag:$0x1] =	stream.indirect.gather [hbm4b:s3+s8], $0x1, s16, s8, $0xb8;
	[tilespmem:$0xC800] =	vst v63  }
0xde: {  	s17 =	sadd.s32 $0x6680, s14;
	s18 =	sadd.s32 $0x280, s14  }
0xdf: {  	[tilespmem:s17], [sflag:$0x1] =	stream.indirect.gather [hbm4b:s3+s8], $0x1, s18, s8, $0xb8;
	[tilespmem:$0xC800] =	vst v63  }
0xe0: {  	s19 =	sadd.s32 $0x6700, s14;
	s20 =	sadd.s32 $0x300, s14  }
0xe1: {  	[tilespmem:s19], [sflag:$0x1] =	stream.indirect.gather [hbm4b:s3+s8], $0x1, s20, s8, $0xb8;
	[tilespmem:$0xC800] =	vst v63  }
0xe2: {  	s21 =	sadd.s32 $0x6780, s14;
	s22 =	sadd.s32 $0x380, s14  }
0xe3: {  	[tilespmem:s21], [sflag:$0x1] =	stream.indirect.gather [hbm4b:s3+s8], $0x1, s22, s8, $0xb8;
	[tilespmem:$0xC800] =	vst v63  }
0xe4: {  	s23 =	sadd.s32 $0x6800, s14;
	s24 =	sadd.s32 $0x400, s14  }
0xe5: {  	[tilespmem:s23], [sflag:$0x1] =	stream.indirect.gather [hbm4b:s3+s8], $0x1, s24, s8, $0xb8;
	[tilespmem:$0xC800] =	vst v63  }
0xe6: {  	s25 =	sadd.s32 $0x6880, s14;
	s26 =	sadd.s32 $0x480, s14  }
0xe7: {  	[tilespmem:s25], [sflag:$0x1] =	stream.indirect.gather [hbm4b:s3+s8], $0x1, s26, s8, $0xb8;
	[tilespmem:$0xC800] =	vst v63  }
0xe8: {  	s28 =	sadd.s32 $0x6900, s14;
	s29 =	sadd.s32 $0x500, s14  }
0xe9: {  	[tilespmem:s28], [sflag:$0x1] =	stream.indirect.gather [hbm4b:s3+s8], $0x1, s29, s8, $0xb8;
	[tilespmem:$0xC800] =	vst v63  }
0xea: {  	s30 =	sadd.s32 $0x6980, s14;
	s31 =	sadd.s32 $0x580, s14  }
0xeb: {  	[tilespmem:s30], [sflag:$0x1] =	stream.indirect.gather [hbm4b:s3+s8], $0x1, s31, s8, $0xb8;
	[tilespmem:$0xC800] =	vst v63  }
0xec: {  	s15 =	sadd.s32 $0x6A00, s14;
	s16 =	sadd.s32 $0x600, s14  }
0xed: {  	[tilespmem:s15], [sflag:$0x1] =	stream.indirect.gather [hbm4b:s3+s8], $0x1, s16, s8, $0xb8;
	[tilespmem:$0xC800] =	vst v63  }
0xee: {  	s17 =	sadd.s32 $0x6A80, s14;
	s18 =	sadd.s32 $0x680, s14  }
0xef: {  	[tilespmem:s17], [sflag:$0x1] =	stream.indirect.gather [hbm4b:s3+s8], $0x1, s18, s8, $0xb8;
	[tilespmem:$0xC800] =	vst v63  }
0xf0: {  	s19 =	sadd.s32 $0x6B00, s14;
	s20 =	sadd.s32 $0x700, s14  }
0xf1: {  	[tilespmem:s19], [sflag:$0x1] =	stream.indirect.gather [hbm4b:s3+s8], $0x1, s20, s8, $0xb8;
	[tilespmem:$0xC800] =	vst v63  }
0xf2: {  	s21 =	sadd.s32 $0x6B80, s14;
	s22 =	sadd.s32 $0x780, s14  }
0xf3: {  	[tilespmem:s21], [sflag:$0x1] =	stream.indirect.gather [hbm4b:s3+s8], $0x1, s22, s8, $0xb8;
	[tilespmem:$0xC800] =	vst v63  }
0xf4: {  	s23 =	sadd.s32 $0x6C00, s14;
	s24 =	sadd.s32 $0x800, s14  }
0xf5: {  	[tilespmem:s23], [sflag:$0x1] =	stream.indirect.gather [hbm4b:s3+s8], $0x1, s24, s8, $0xb8;
	[tilespmem:$0xC800] =	vst v63  }
0xf6: {  	s25 =	sadd.s32 $0x6C80, s14;
	s26 =	sadd.s32 $0x880, s14  }
0xf7: {  	[tilespmem:s25], [sflag:$0x1] =	stream.indirect.gather [hbm4b:s3+s8], $0x1, s26, s8, $0xb8;
	[tilespmem:$0xC800] =	vst v63  }
0xf8: {  	s28 =	sadd.s32 $0x6D00, s14;
	s29 =	sadd.s32 $0x900, s14  }
0xf9: {  	[tilespmem:s28], [sflag:$0x1] =	stream.indirect.gather [hbm4b:s3+s8], $0x1, s29, s8, $0xb8;
	[tilespmem:$0xC800] =	vst v63  }
0xfa: {  	s30 =	sadd.s32 $0x6D80, s14;
	s31 =	sadd.s32 $0x980, s14  }
0xfb: {  	[tilespmem:s30], [sflag:$0x1] =	stream.indirect.gather [hbm4b:s3+s8], $0x1, s31, s8, $0xb8;
	[tilespmem:$0xC800] =	vst v63  }
0xfc: {  	_ =	swait.ge [sflag:s9], $0x80  }
0xfd: {  	[sflag:s9] =	ssyncset.done $0x0  }
0xfe: {  	[sflag:s9] =	ssyncadd.s32 $0xFFFFFF80  }
0xff: {  	_ =	swait.ge [sflag:s9], $0x80  }
0x100: {  	[sflag:s9] =	ssyncset.done $0x0  }
0x101: {  	[sflag:s9] =	ssyncadd.s32 $0xFFFFFF80  }
0x102: {  	_ =	swait.ge [sflag:s9], $0x80  }
0x103: {  	[sflag:s9] =	ssyncset.done $0x0  }
0x104: {  	[sflag:s9] =	ssyncadd.s32 $0xFFFFFF80  }
0x105: {  	_ =	swait.ge [sflag:s9], $0x80  }
0x106: {  	[sflag:s9] =	ssyncset.done $0x0  }
0x107: {  	[sflag:s9] =	ssyncadd.s32 $0xFFFFFF80  }
0x108: {  	_ =	swait.ge [sflag:s9], $0x80  }
0x109: {  	[sflag:s9] =	ssyncset.done $0x0  }
0x10a: {  	[sflag:s9] =	ssyncadd.s32 $0xFFFFFF80  }
0x10b: {  	_ =	swait.ge [sflag:s9], $0x80  }
0x10c: {  	[sflag:s9] =	ssyncset.done $0x0  }
0x10d: {  	[sflag:s9] =	ssyncadd.s32 $0xFFFFFF80  }
0x10e: {  	_ =	swait.ge [sflag:s9], $0x80  }
0x10f: {  	[sflag:s9] =	ssyncset.done $0x0  }
0x110: {  	[sflag:s9] =	ssyncadd.s32 $0xFFFFFF80  }
0x111: {  	_ =	swait.ge [sflag:s9], $0x80  }
0x112: {  	[sflag:s9] =	ssyncset.done $0x0  }
0x113: {  	[sflag:s9] =	ssyncadd.s32 $0xFFFFFF80  }
0x114: {  	_ =	swait.ge [sflag:s9], $0x80  }
0x115: {  	[sflag:s9] =	ssyncset.done $0x0  }
0x116: {  	[sflag:s9] =	ssyncadd.s32 $0xFFFFFF80  }
0x117: {  	_ =	swait.ge [sflag:s9], $0x80  }
0x118: {  	[sflag:s9] =	ssyncset.done $0x0  }
0x119: {  	[sflag:s9] =	ssyncadd.s32 $0xFFFFFF80  }
0x11a: {  	_ =	swait.ge [sflag:s9], $0x80  }
0x11b: {  	[sflag:s9] =	ssyncset.done $0x0  }
0x11c: {  	[sflag:s9] =	ssyncadd.s32 $0xFFFFFF80  }
0x11d: {  	_ =	swait.ge [sflag:s9], $0x80  }
0x11e: {  	[sflag:s9] =	ssyncset.done $0x0  }
0x11f: {  	[sflag:s9] =	ssyncadd.s32 $0xFFFFFF80  }
0x120: {  	_ =	swait.ge [sflag:s9], $0x80  }
0x121: {  	[sflag:s9] =	ssyncset.done $0x0  }
0x122: {  	[sflag:s9] =	ssyncadd.s32 $0xFFFFFF80  }
0x123: {  	_ =	swait.ge [sflag:s9], $0x80  }
0x124: {  	[sflag:s9] =	ssyncset.done $0x0  }
0x125: {  	[sflag:s9] =	ssyncadd.s32 $0xFFFFFF80  }
0x126: {  	_ =	swait.ge [sflag:s9], $0x80  }
0x127: {  	[sflag:s9] =	ssyncset.done $0x0  }
0x128: {  	[sflag:s9] =	ssyncadd.s32 $0xFFFFFF80  }
0x129: {  	_ =	swait.ge [sflag:s9], $0x80  }
0x12a: {  	[sflag:s9] =	ssyncset.done $0x0  }
0x12b: {  	[sflag:s9] =	ssyncadd.s32 $0xFFFFFF80  }
0x12c: {  	_ =	swait.ge [sflag:s9], $0x80  }
0x12d: {  	[sflag:s9] =	ssyncset.done $0x0  }
0x12e: {  	[sflag:s9] =	ssyncadd.s32 $0xFFFFFF80  }
0x12f: {  	_ =	swait.ge [sflag:s9], $0x80  }
0x130: {  	[sflag:s9] =	ssyncset.done $0x0  }
0x131: {  	[sflag:s9] =	ssyncadd.s32 $0xFFFFFF80  }
0x132: {  	_ =	swait.ge [sflag:s9], $0x80  }
0x133: {  	[sflag:s9] =	ssyncset.done $0x0  }
0x134: {  	[sflag:s9] =	ssyncadd.s32 $0xFFFFFF80  }
0x135: {  	s11 =	sadd.s32 $0x1, s11;
	_ =	swait.ge [sflag:s9], $0x80  }
0x136: {  	p0 =	sne.s32 s11, s6;
	[sflag:s9] =	ssyncset.done $0x0  }
.Ltmp1:
0x137: {  	[sflag:s9] =	ssyncadd.s32 $0xFFFFFF80;
	(pc) =	sbr.rel @p0 .LBB2_1-.Ltmp1, $4  }
0x138: {  	[hbm4b:s5+s2] =	stream.linear.scatter [tilespmem:s10], [sflag:$0x2], $0x6400, $0x38;
	[tilespmem:$0xC800] =	vst v63  }
0x139: {  	_ =	swait.ge [sflag:s7], $0x6400  }
0x13a: {  	[sflag:s7] =	ssyncset.done $0x0  }
0x13b: {  	[sflag:s7] =	ssyncadd.s32 $0xFFFF9C00  }
0x13c: {  	_ =	sfence.sel $0x180000  }
0x13d: {  	[bflag:$0x0] =	sbarrier.arrive $0xFFFF  }
0x13e: {  	p0 =	sne.s32 s0, $0x0;
	_ =	strace $0x90000047  }
0x13f: {  	s0 =	sadd.s32 @!p0 $0x100000, s1;
	[bflag:$0x2] =	sbarrier.arrive $0xFFFF  }
0x140: {  	[sflag:s0] =	ssyncadd.tile.s32 @!p0 $0x1;
	_ =	shalt  }
.Lfunc_end2:
_tile_overlayer_lowered:
.L_overlay_start_2:
0x141: {  	(tag) =	ssettag $0x2  }
0x142: {  	s0 =	rddreg [dreg:$0x0];
	s2 =	stileid.u32  }
0x143: {  	s1 =	rddreg [dreg:$0x1];
	p0 =	sne.s32 s2, $0x0  }
0x144: {  	s3 =	rddreg [dreg:$0x2];
	[bflag:$0x3] =	sbarrier.arrive $0xFFFF;
	s2 =	simm.s32 @!p0 $0x1C02  }
0x145: {  	[timem:s3], [sflag:s2] =	dma.local @!p0 [hbm:s0], s1  }
0x146: {  	s0 =	simm.s32 @!p0 $0x2  }
0x147: {  	_ =	swait.ge @!p0 [sflag:s0], s1  }
0x148: {  	s1 =	ssub.s32 @!p0 $0x0, s1;
	[sflag:s0] =	ssyncset.done @!p0 $0x0  }
0x149: {  	[sflag:s0] =	ssyncadd.s32 @!p0 s1  }
0x14a: {  	[bflag:$0x3] =	sbarrier.arrive $0xFFFF  }
0x14b: {  	_ =	shalt  }

</sc_bundles>
